<compile_context>
chip_gen: v7x
topology: tpu7x:2x2x1
jax: 0.10.2.dev20260603
libtpu: 0.0.44.dev20260713+nightly
codegen_flags: <defaults>
</compile_context>

<pallas_src>
import functools

import jax
import jax.numpy as jnp
from jax import lax
from jax.experimental import pallas as pl
from jax.experimental.pallas import tpu as pltpu
from jax.experimental.pallas import tpu_sc as plsc

D_EMBED = 64
SCALE = float(D_EMBED ** 0.5)

IDX_W = 128
ROWS = 4096 * 200 // IDX_W
NW = 32
ROWS_PER_W = ROWS // NW
K = 4
N_CHUNKS = ROWS_PER_W // K

@functools.cache
def _build_gather_scale():
    mesh = plsc.VectorSubcoreMesh(core_axis_name="c", subcore_axis_name="s")
    return functools.partial(
        pl.kernel,
        mesh=mesh,
        out_type=jax.ShapeDtypeStruct((ROWS, IDX_W, D_EMBED), jnp.float32),
        scratch_types=[
            pltpu.VMEM((ROWS_PER_W, IDX_W), jnp.int32),
            pltpu.VMEM((2 * K, IDX_W, D_EMBED), jnp.float32),
            pltpu.SemaphoreType.DMA,
        ],
        compiler_params=pltpu.CompilerParams(use_tc_tiling_on_sc=False),
    )(_gather_scale_body)


def _gather_scale_body(idx_hbm, table_hbm, out_hbm, idx_v, rows_v, sem):
    wid = lax.axis_index("s") * 2 + lax.axis_index("c")
    row0 = wid * ROWS_PER_W
    pltpu.sync_copy(idx_hbm.at[pl.ds(row0, ROWS_PER_W)], idx_v)

    def fire(c, b):
        for j in range(K):
            pltpu.async_copy(
                table_hbm.at[idx_v.at[c * K + j]], rows_v.at[b * K + j], sem)

    def process(c, b):
        for j in range(K):
            pltpu.make_async_copy(
                table_hbm.at[idx_v.at[c * K + j]], rows_v.at[b * K + j], sem
            ).wait()

        def scale_body(rr, carry):
            for kk in range(K):
                for j in range(D_EMBED // 16):
                    sl = (b * K + kk, rr, pl.ds(j * 16, 16))
                    rows_v[sl] = rows_v[sl] * SCALE
            return carry

        lax.fori_loop(0, IDX_W, scale_body, 0)
        pltpu.sync_copy(rows_v.at[pl.ds(b * K, K)],
                        out_hbm.at[pl.ds(row0 + c * K, K)])

    fire(0, 0)

    def pair_body(i, carry):
        c0 = 2 * i
        fire(c0 + 1, 1)
        process(c0, 0)
        fire(c0 + 2, 0)
        process(c0 + 1, 1)
        return carry

    lax.fori_loop(0, (N_CHUNKS - 2) // 2, pair_body, 0)
    fire(N_CHUNKS - 1, 1)
    process(N_CHUNKS - 2, 0)
    process(N_CHUNKS - 1, 1)


def kernel(inp, emb_weight):
    idx = inp.reshape(ROWS, IDX_W)
    if idx.dtype != jnp.int32:
        idx = idx.astype(jnp.int32)
    out = _build_gather_scale()(idx, emb_weight)
    return out.reshape(inp.shape[0], inp.shape[1], D_EMBED)

# --- scband reference (transcript-rebuilt; emitter-appended) ---
"""Pipeline reference for scband-adaptive-embedding-89919435309662 (READ-ONLY COPY).

The authoritative reference and input builder live on the scoring server;
editing this copy changes nothing except your own understanding.
"""

import jax, jax.numpy as jnp
import numpy as np

N_TOKEN = 1000000
D_EMBED = 64
D_PROJ = 64
EMB_SCALE = float(D_PROJ ** 0.5)


def setup_inputs(seed: int = 0) -> dict:
    key = jax.random.key(seed)
    k1, k2 = jax.random.split(key)
    inp = jax.random.randint(k1, (4096, 200), 0, N_TOKEN, dtype=jnp.int64 if jax.config.jax_enable_x64 else jnp.int32)
    emb_weight = jax.random.normal(k2, (N_TOKEN, D_EMBED), dtype=jnp.float32) * 0.02
    return {"inp": inp, "emb_weight": emb_weight}


def reference(inp, emb_weight):
    # inp is 2-D integer indices -> embedding lookup (gather rows)
    embed = jnp.take(emb_weight, inp, axis=0)
    # d_proj == d_embed, so no projection is applied
    embed = embed * EMB_SCALE
    return embed

if __name__ == "__main__":
    import jax
    _d = setup_inputs()
    print(jax.jit(kernel)(*tuple(_d.values())))

</pallas_src>

<mosaic_0001>
#map = affine_map<(d0, d1) -> (0, 0)>
#map1 = affine_map<(d0, d1) -> (0, 0, 0)>
module attributes {stable_mosaic.version = 14 : i64} {
  func.func @_gather_scale_body(%arg0: i32, %arg1: i32, %arg2: memref<6400x128xi32, #tpu.memory_space<hbm>>, %arg3: memref<1000000x64xf32, #tpu.memory_space<hbm>>, %arg4: memref<6400x128x64xf32, #tpu.memory_space<hbm>>, %arg5: memref<200x128xi32, #tpu.memory_space<vmem>>, %arg6: memref<8x128x64xf32, #tpu.memory_space<vmem>>, %arg7: memref<!tpu.dma_semaphore, #tpu.memory_space<semaphore_mem>>) attributes {dimension_semantics = [#tpu.dimension_semantics<core_parallel>, #tpu.dimension_semantics<subcore_parallel>], iteration_bounds = array<i64: 2, 16>, scalar_prefetch = 0 : i64, scratch_operands = 3 : i64, tpu.core_type = #tpu.core_type<sc_vector_subcore>, window_params = [{transform_indices = #map}, {transform_indices = #map}, {transform_indices = #map1}]} {
    %mul3A = arith.constant 2 : i32
    %mul3A_0 = arith.muli %arg1, %mul3A : i32
    %add3A = arith.addi %mul3A_0, %arg0 : i32
    %mul3A_1 = arith.constant 200 : i32
    %mul3A_2 = arith.muli %add3A, %mul3A_1 : i32
    "tpu.region"() ({
      %run_scoped3A = tpu.sem_alloc : memref<!tpu.dma_semaphore, #tpu.memory_space<semaphore_mem>>
      %dma_start3A_214 = arith.constant 0 : i32
      %dma_start3A_215 = tpu.memref_slice %arg2[%mul3A_2, %dma_start3A_214] : memref<6400x128xi32, #tpu.memory_space<hbm>> -> memref<200x128xi32, #tpu.memory_space<hbm>>
      %dma_start3A_216 = arith.constant 0 : i32
      %dma_start3A_217 = tpu.memref_slice %arg2[%mul3A_2, %dma_start3A_216] : memref<6400x128xi32, #tpu.memory_space<hbm>> -> memref<200x128xi32, #tpu.memory_space<hbm>>
      tpu.enqueue_dma source(%dma_start3A_217 : memref<200x128xi32, #tpu.memory_space<hbm>>) target(%arg5 : memref<200x128xi32, #tpu.memory_space<vmem>>) target_semaphore(%run_scoped3A : memref<!tpu.dma_semaphore, #tpu.memory_space<semaphore_mem>>)
      %dma_wait3A_218 = arith.constant 0 : i32
      %dma_wait3A_219 = tpu.memref_slice %arg2[%mul3A_2, %dma_wait3A_218] : memref<6400x128xi32, #tpu.memory_space<hbm>> -> memref<200x128xi32, #tpu.memory_space<hbm>>
      %dma_wait3A_220 = arith.constant 0 : i32
      %dma_wait3A_221 = tpu.memref_slice %arg2[%mul3A_2, %dma_wait3A_220] : memref<6400x128xi32, #tpu.memory_space<hbm>> -> memref<200x128xi32, #tpu.memory_space<hbm>>
      tpu.wait_dma2 semaphore(%run_scoped3A : memref<!tpu.dma_semaphore, #tpu.memory_space<semaphore_mem>>) src(%dma_wait3A_221 : memref<200x128xi32, #tpu.memory_space<hbm>>) dst(%arg5 : memref<200x128xi32, #tpu.memory_space<vmem>>)
      tpu.yield
    }) : () -> ()
    %dma_start3A = arith.constant 0 : i32
    %dma_start3A_3 = arith.constant 0 : i32
    %dma_start3A_4 = arith.constant 0 : i32
    %dma_start3A_5 = arith.constant 0 : i32
    %dma_start3A_6 = tpu.memref_slice %arg6[%dma_start3A_3, %dma_start3A_4, %dma_start3A_5] : memref<8x128x64xf32, #tpu.memory_space<vmem>> -> memref<1x128x64xf32, #tpu.memory_space<vmem>>
    %dma_start3A_7 = tpu.memref_squeeze %dma_start3A_6 : memref<1x128x64xf32, #tpu.memory_space<vmem>> -> memref<128x64xf32, #tpu.memory_space<vmem>>
    %dma_start3A_8 = arith.constant 0 : i32
    %dma_start3A_9 = tpu.memref_slice %arg5[%dma_start3A, %dma_start3A_8] : memref<200x128xi32, #tpu.memory_space<vmem>> -> memref<1x128xi32, #tpu.memory_space<vmem>>
    %dma_start3A_10 = tpu.memref_squeeze %dma_start3A_9 : memref<1x128xi32, #tpu.memory_space<vmem>> -> memref<128xi32, #tpu.memory_space<vmem>>
    %dma_start3A_11 = arith.constant 0 : i32
    %dma_start3A_12 = arith.constant 0 : i32
    %dma_start3A_13 = tpu.memref_slice %arg3[%dma_start3A_11, %dma_start3A_12] : memref<1000000x64xf32, #tpu.memory_space<hbm>> -> memref<1000000x64xf32, #tpu.memory_space<hbm>>
    tpu.enqueue_indirect_dma source(%dma_start3A_13 : memref<1000000x64xf32, #tpu.memory_space<hbm>>) target(%dma_start3A_7 : memref<128x64xf32, #tpu.memory_space<vmem>>) offsets(%dma_start3A_10 : memref<128xi32, #tpu.memory_space<vmem>>) semaphore(%arg7 : memref<!tpu.dma_semaphore, #tpu.memory_space<semaphore_mem>>)
    %dma_start3A_14 = arith.constant 1 : i32
    %dma_start3A_15 = arith.constant 1 : i32
    %dma_start3A_16 = arith.constant 0 : i32
    %dma_start3A_17 = arith.constant 0 : i32
    %dma_start3A_18 = tpu.memref_slice %arg6[%dma_start3A_15, %dma_start3A_16, %dma_start3A_17] : memref<8x128x64xf32, #tpu.memory_space<vmem>> -> memref<1x128x64xf32, #tpu.memory_space<vmem>>
    %dma_start3A_19 = tpu.memref_squeeze %dma_start3A_18 : memref<1x128x64xf32, #tpu.memory_space<vmem>> -> memref<128x64xf32, #tpu.memory_space<vmem>>
    %dma_start3A_20 = arith.constant 0 : i32
    %dma_start3A_21 = tpu.memref_slice %arg5[%dma_start3A_14, %dma_start3A_20] : memref<200x128xi32, #tpu.memory_space<vmem>> -> memref<1x128xi32, #tpu.memory_space<vmem>>
    %dma_start3A_22 = tpu.memref_squeeze %dma_start3A_21 : memref<1x128xi32, #tpu.memory_space<vmem>> -> memref<128xi32, #tpu.memory_space<vmem>>
    %dma_start3A_23 = arith.constant 0 : i32
    %dma_start3A_24 = arith.constant 0 : i32
    %dma_start3A_25 = tpu.memref_slice %arg3[%dma_start3A_23, %dma_start3A_24] : memref<1000000x64xf32, #tpu.memory_space<hbm>> -> memref<1000000x64xf32, #tpu.memory_space<hbm>>
    tpu.enqueue_indirect_dma source(%dma_start3A_25 : memref<1000000x64xf32, #tpu.memory_space<hbm>>) target(%dma_start3A_19 : memref<128x64xf32, #tpu.memory_space<vmem>>) offsets(%dma_start3A_22 : memref<128xi32, #tpu.memory_space<vmem>>) semaphore(%arg7 : memref<!tpu.dma_semaphore, #tpu.memory_space<semaphore_mem>>)
    %dma_start3A_26 = arith.constant 2 : i32
    %dma_start3A_27 = arith.constant 2 : i32
    %dma_start3A_28 = arith.constant 0 : i32
    %dma_start3A_29 = arith.constant 0 : i32
    %dma_start3A_30 = tpu.memref_slice %arg6[%dma_start3A_27, %dma_start3A_28, %dma_start3A_29] : memref<8x128x64xf32, #tpu.memory_space<vmem>> -> memref<1x128x64xf32, #tpu.memory_space<vmem>>
    %dma_start3A_31 = tpu.memref_squeeze %dma_start3A_30 : memref<1x128x64xf32, #tpu.memory_space<vmem>> -> memref<128x64xf32, #tpu.memory_space<vmem>>
    %dma_start3A_32 = arith.constant 0 : i32
    %dma_start3A_33 = tpu.memref_slice %arg5[%dma_start3A_26, %dma_start3A_32] : memref<200x128xi32, #tpu.memory_space<vmem>> -> memref<1x128xi32, #tpu.memory_space<vmem>>
    %dma_start3A_34 = tpu.memref_squeeze %dma_start3A_33 : memref<1x128xi32, #tpu.memory_space<vmem>> -> memref<128xi32, #tpu.memory_space<vmem>>
    %dma_start3A_35 = arith.constant 0 : i32
    %dma_start3A_36 = arith.constant 0 : i32
    %dma_start3A_37 = tpu.memref_slice %arg3[%dma_start3A_35, %dma_start3A_36] : memref<1000000x64xf32, #tpu.memory_space<hbm>> -> memref<1000000x64xf32, #tpu.memory_space<hbm>>
    tpu.enqueue_indirect_dma source(%dma_start3A_37 : memref<1000000x64xf32, #tpu.memory_space<hbm>>) target(%dma_start3A_31 : memref<128x64xf32, #tpu.memory_space<vmem>>) offsets(%dma_start3A_34 : memref<128xi32, #tpu.memory_space<vmem>>) semaphore(%arg7 : memref<!tpu.dma_semaphore, #tpu.memory_space<semaphore_mem>>)
    %dma_start3A_38 = arith.constant 3 : i32
    %dma_start3A_39 = arith.constant 3 : i32
    %dma_start3A_40 = arith.constant 0 : i32
    %dma_start3A_41 = arith.constant 0 : i32
    %dma_start3A_42 = tpu.memref_slice %arg6[%dma_start3A_39, %dma_start3A_40, %dma_start3A_41] : memref<8x128x64xf32, #tpu.memory_space<vmem>> -> memref<1x128x64xf32, #tpu.memory_space<vmem>>
    %dma_start3A_43 = tpu.memref_squeeze %dma_start3A_42 : memref<1x128x64xf32, #tpu.memory_space<vmem>> -> memref<128x64xf32, #tpu.memory_space<vmem>>
    %dma_start3A_44 = arith.constant 0 : i32
    %dma_start3A_45 = tpu.memref_slice %arg5[%dma_start3A_38, %dma_start3A_44] : memref<200x128xi32, #tpu.memory_space<vmem>> -> memref<1x128xi32, #tpu.memory_space<vmem>>
    %dma_start3A_46 = tpu.memref_squeeze %dma_start3A_45 : memref<1x128xi32, #tpu.memory_space<vmem>> -> memref<128xi32, #tpu.memory_space<vmem>>
    %dma_start3A_47 = arith.constant 0 : i32
    %dma_start3A_48 = arith.constant 0 : i32
    %dma_start3A_49 = tpu.memref_slice %arg3[%dma_start3A_47, %dma_start3A_48] : memref<1000000x64xf32, #tpu.memory_space<hbm>> -> memref<1000000x64xf32, #tpu.memory_space<hbm>>
    tpu.enqueue_indirect_dma source(%dma_start3A_49 : memref<1000000x64xf32, #tpu.memory_space<hbm>>) target(%dma_start3A_43 : memref<128x64xf32, #tpu.memory_space<vmem>>) offsets(%dma_start3A_46 : memref<128xi32, #tpu.memory_space<vmem>>) semaphore(%arg7 : memref<!tpu.dma_semaphore, #tpu.memory_space<semaphore_mem>>)
    %scan3A = arith.constant 0 : i32
    %scan3A_50 = arith.constant 0 : i32
    %scan3A_51 = arith.constant 24 : i32
    %scan3A_52 = arith.addi %scan3A_50, %scan3A_51 : i32
    %scan3A_53 = arith.constant 1 : i32
    scf.for %scan3A_214 = %scan3A_50 to %scan3A_52 step %scan3A_53  : i32 {
      %mul3A_215 = arith.constant 2 : i32
      %mul3A_216 = arith.muli %mul3A_215, %scan3A_214 : i32
      %add3A_217 = arith.constant 1 : i32
      %add3A_218 = arith.addi %mul3A_216, %add3A_217 : i32
      %mul3A_219 = arith.constant 4 : i32
      %mul3A_220 = arith.muli %add3A_218, %mul3A_219 : i32
      %add3A_221 = arith.constant 0 : i32
      %add3A_222 = arith.addi %mul3A_220, %add3A_221 : i32
      %dma_start3A_223 = arith.constant 4 : i32
      %dma_start3A_224 = arith.constant 0 : i32
      %dma_start3A_225 = arith.constant 0 : i32
      %dma_start3A_226 = tpu.memref_slice %arg6[%dma_start3A_223, %dma_start3A_224, %dma_start3A_225] : memref<8x128x64xf32, #tpu.memory_space<vmem>> -> memref<1x128x64xf32, #tpu.memory_space<vmem>>
      %dma_start3A_227 = tpu.memref_squeeze %dma_start3A_226 : memref<1x128x64xf32, #tpu.memory_space<vmem>> -> memref<128x64xf32, #tpu.memory_space<vmem>>
      %dma_start3A_228 = arith.constant 0 : i32
      %dma_start3A_229 = tpu.memref_slice %arg5[%add3A_222, %dma_start3A_228] : memref<200x128xi32, #tpu.memory_space<vmem>> -> memref<1x128xi32, #tpu.memory_space<vmem>>
      %dma_start3A_230 = tpu.memref_squeeze %dma_start3A_229 : memref<1x128xi32, #tpu.memory_space<vmem>> -> memref<128xi32, #tpu.memory_space<vmem>>
      %dma_start3A_231 = arith.constant 0 : i32
      %dma_start3A_232 = arith.constant 0 : i32
      %dma_start3A_233 = tpu.memref_slice %arg3[%dma_start3A_231, %dma_start3A_232] : memref<1000000x64xf32, #tpu.memory_space<hbm>> -> memref<1000000x64xf32, #tpu.memory_space<hbm>>
      tpu.enqueue_indirect_dma source(%dma_start3A_233 : memref<1000000x64xf32, #tpu.memory_space<hbm>>) target(%dma_start3A_227 : memref<128x64xf32, #tpu.memory_space<vmem>>) offsets(%dma_start3A_230 : memref<128xi32, #tpu.memory_space<vmem>>) semaphore(%arg7 : memref<!tpu.dma_semaphore, #tpu.memory_space<semaphore_mem>>)
      %mul3A_234 = arith.constant 4 : i32
      %mul3A_235 = arith.muli %add3A_218, %mul3A_234 : i32
      %add3A_236 = arith.constant 1 : i32
      %add3A_237 = arith.addi %mul3A_235, %add3A_236 : i32
      %dma_start3A_238 = arith.constant 5 : i32
      %dma_start3A_239 = arith.constant 0 : i32
      %dma_start3A_240 = arith.constant 0 : i32
      %dma_start3A_241 = tpu.memref_slice %arg6[%dma_start3A_238, %dma_start3A_239, %dma_start3A_240] : memref<8x128x64xf32, #tpu.memory_space<vmem>> -> memref<1x128x64xf32, #tpu.memory_space<vmem>>
      %dma_start3A_242 = tpu.memref_squeeze %dma_start3A_241 : memref<1x128x64xf32, #tpu.memory_space<vmem>> -> memref<128x64xf32, #tpu.memory_space<vmem>>
      %dma_start3A_243 = arith.constant 0 : i32
      %dma_start3A_244 = tpu.memref_slice %arg5[%add3A_237, %dma_start3A_243] : memref<200x128xi32, #tpu.memory_space<vmem>> -> memref<1x128xi32, #tpu.memory_space<vmem>>
      %dma_start3A_245 = tpu.memref_squeeze %dma_start3A_244 : memref<1x128xi32, #tpu.memory_space<vmem>> -> memref<128xi32, #tpu.memory_space<vmem>>
      %dma_start3A_246 = arith.constant 0 : i32
      %dma_start3A_247 = arith.constant 0 : i32
      %dma_start3A_248 = tpu.memref_slice %arg3[%dma_start3A_246, %dma_start3A_247] : memref<1000000x64xf32, #tpu.memory_space<hbm>> -> memref<1000000x64xf32, #tpu.memory_space<hbm>>
      tpu.enqueue_indirect_dma source(%dma_start3A_248 : memref<1000000x64xf32, #tpu.memory_space<hbm>>) target(%dma_start3A_242 : memref<128x64xf32, #tpu.memory_space<vmem>>) offsets(%dma_start3A_245 : memref<128xi32, #tpu.memory_space<vmem>>) semaphore(%arg7 : memref<!tpu.dma_semaphore, #tpu.memory_space<semaphore_mem>>)
      %mul3A_249 = arith.constant 4 : i32
      %mul3A_250 = arith.muli %add3A_218, %mul3A_249 : i32
      %add3A_251 = arith.constant 2 : i32
      %add3A_252 = arith.addi %mul3A_250, %add3A_251 : i32
      %dma_start3A_253 = arith.constant 6 : i32
      %dma_start3A_254 = arith.constant 0 : i32
      %dma_start3A_255 = arith.constant 0 : i32
      %dma_start3A_256 = tpu.memref_slice %arg6[%dma_start3A_253, %dma_start3A_254, %dma_start3A_255] : memref<8x128x64xf32, #tpu.memory_space<vmem>> -> memref<1x128x64xf32, #tpu.memory_space<vmem>>
      %dma_start3A_257 = tpu.memref_squeeze %dma_start3A_256 : memref<1x128x64xf32, #tpu.memory_space<vmem>> -> memref<128x64xf32, #tpu.memory_space<vmem>>
      %dma_start3A_258 = arith.constant 0 : i32
      %dma_start3A_259 = tpu.memref_slice %arg5[%add3A_252, %dma_start3A_258] : memref<200x128xi32, #tpu.memory_space<vmem>> -> memref<1x128xi32, #tpu.memory_space<vmem>>
      %dma_start3A_260 = tpu.memref_squeeze %dma_start3A_259 : memref<1x128xi32, #tpu.memory_space<vmem>> -> memref<128xi32, #tpu.memory_space<vmem>>
      %dma_start3A_261 = arith.constant 0 : i32
      %dma_start3A_262 = arith.constant 0 : i32
      %dma_start3A_263 = tpu.memref_slice %arg3[%dma_start3A_261, %dma_start3A_262] : memref<1000000x64xf32, #tpu.memory_space<hbm>> -> memref<1000000x64xf32, #tpu.memory_space<hbm>>
      tpu.enqueue_indirect_dma source(%dma_start3A_263 : memref<1000000x64xf32, #tpu.memory_space<hbm>>) target(%dma_start3A_257 : memref<128x64xf32, #tpu.memory_space<vmem>>) offsets(%dma_start3A_260 : memref<128xi32, #tpu.memory_space<vmem>>) semaphore(%arg7 : memref<!tpu.dma_semaphore, #tpu.memory_space<semaphore_mem>>)
      %mul3A_264 = arith.constant 4 : i32
      %mul3A_265 = arith.muli %add3A_218, %mul3A_264 : i32
      %add3A_266 = arith.constant 3 : i32
      %add3A_267 = arith.addi %mul3A_265, %add3A_266 : i32
      %dma_start3A_268 = arith.constant 7 : i32
      %dma_start3A_269 = arith.constant 0 : i32
      %dma_start3A_270 = arith.constant 0 : i32
      %dma_start3A_271 = tpu.memref_slice %arg6[%dma_start3A_268, %dma_start3A_269, %dma_start3A_270] : memref<8x128x64xf32, #tpu.memory_space<vmem>> -> memref<1x128x64xf32, #tpu.memory_space<vmem>>
      %dma_start3A_272 = tpu.memref_squeeze %dma_start3A_271 : memref<1x128x64xf32, #tpu.memory_space<vmem>> -> memref<128x64xf32, #tpu.memory_space<vmem>>
      %dma_start3A_273 = arith.constant 0 : i32
      %dma_start3A_274 = tpu.memref_slice %arg5[%add3A_267, %dma_start3A_273] : memref<200x128xi32, #tpu.memory_space<vmem>> -> memref<1x128xi32, #tpu.memory_space<vmem>>
      %dma_start3A_275 = tpu.memref_squeeze %dma_start3A_274 : memref<1x128xi32, #tpu.memory_space<vmem>> -> memref<128xi32, #tpu.memory_space<vmem>>
      %dma_start3A_276 = arith.constant 0 : i32
      %dma_start3A_277 = arith.constant 0 : i32
      %dma_start3A_278 = tpu.memref_slice %arg3[%dma_start3A_276, %dma_start3A_277] : memref<1000000x64xf32, #tpu.memory_space<hbm>> -> memref<1000000x64xf32, #tpu.memory_space<hbm>>
      tpu.enqueue_indirect_dma source(%dma_start3A_278 : memref<1000000x64xf32, #tpu.memory_space<hbm>>) target(%dma_start3A_272 : memref<128x64xf32, #tpu.memory_space<vmem>>) offsets(%dma_start3A_275 : memref<128xi32, #tpu.memory_space<vmem>>) semaphore(%arg7 : memref<!tpu.dma_semaphore, #tpu.memory_space<semaphore_mem>>)
      %mul3A_279 = arith.constant 4 : i32
      %mul3A_280 = arith.muli %mul3A_216, %mul3A_279 : i32
      %add3A_281 = arith.constant 0 : i32
      %add3A_282 = arith.addi %mul3A_280, %add3A_281 : i32
      %dma_wait3A_283 = arith.constant 0 : i32
      %dma_wait3A_284 = arith.constant 0 : i32
      %dma_wait3A_285 = arith.constant 0 : i32
      %dma_wait3A_286 = tpu.memref_slice %arg6[%dma_wait3A_283, %dma_wait3A_284, %dma_wait3A_285] : memref<8x128x64xf32, #tpu.memory_space<vmem>> -> memref<1x128x64xf32, #tpu.memory_space<vmem>>
      %dma_wait3A_287 = tpu.memref_squeeze %dma_wait3A_286 : memref<1x128x64xf32, #tpu.memory_space<vmem>> -> memref<128x64xf32, #tpu.memory_space<vmem>>
      %dma_wait3A_288 = arith.constant 0 : i32
      %dma_wait3A_289 = tpu.memref_slice %arg5[%add3A_282, %dma_wait3A_288] : memref<200x128xi32, #tpu.memory_space<vmem>> -> memref<1x128xi32, #tpu.memory_space<vmem>>
      %dma_wait3A_290 = tpu.memref_squeeze %dma_wait3A_289 : memref<1x128xi32, #tpu.memory_space<vmem>> -> memref<128xi32, #tpu.memory_space<vmem>>
      %dma_wait3A_291 = arith.constant 0 : i32
      %dma_wait3A_292 = arith.constant 0 : i32
      %dma_wait3A_293 = tpu.memref_slice %arg3[%dma_wait3A_291, %dma_wait3A_292] : memref<1000000x64xf32, #tpu.memory_space<hbm>> -> memref<1000000x64xf32, #tpu.memory_space<hbm>>
      tpu.wait_indirect_dma semaphore(%arg7 : memref<!tpu.dma_semaphore, #tpu.memory_space<semaphore_mem>>) src(%dma_wait3A_293 : memref<1000000x64xf32, #tpu.memory_space<hbm>>) dst(%dma_wait3A_287 : memref<128x64xf32, #tpu.memory_space<vmem>>)
      %mul3A_294 = arith.constant 4 : i32
      %mul3A_295 = arith.muli %mul3A_216, %mul3A_294 : i32
      %add3A_296 = arith.constant 1 : i32
      %add3A_297 = arith.addi %mul3A_295, %add3A_296 : i32
      %dma_wait3A_298 = arith.constant 1 : i32
      %dma_wait3A_299 = arith.constant 0 : i32
      %dma_wait3A_300 = arith.constant 0 : i32
      %dma_wait3A_301 = tpu.memref_slice %arg6[%dma_wait3A_298, %dma_wait3A_299, %dma_wait3A_300] : memref<8x128x64xf32, #tpu.memory_space<vmem>> -> memref<1x128x64xf32, #tpu.memory_space<vmem>>
      %dma_wait3A_302 = tpu.memref_squeeze %dma_wait3A_301 : memref<1x128x64xf32, #tpu.memory_space<vmem>> -> memref<128x64xf32, #tpu.memory_space<vmem>>
      %dma_wait3A_303 = arith.constant 0 : i32
      %dma_wait3A_304 = tpu.memref_slice %arg5[%add3A_297, %dma_wait3A_303] : memref<200x128xi32, #tpu.memory_space<vmem>> -> memref<1x128xi32, #tpu.memory_space<vmem>>
      %dma_wait3A_305 = tpu.memref_squeeze %dma_wait3A_304 : memref<1x128xi32, #tpu.memory_space<vmem>> -> memref<128xi32, #tpu.memory_space<vmem>>
      %dma_wait3A_306 = arith.constant 0 : i32
      %dma_wait3A_307 = arith.constant 0 : i32
      %dma_wait3A_308 = tpu.memref_slice %arg3[%dma_wait3A_306, %dma_wait3A_307] : memref<1000000x64xf32, #tpu.memory_space<hbm>> -> memref<1000000x64xf32, #tpu.memory_space<hbm>>
      tpu.wait_indirect_dma semaphore(%arg7 : memref<!tpu.dma_semaphore, #tpu.memory_space<semaphore_mem>>) src(%dma_wait3A_308 : memref<1000000x64xf32, #tpu.memory_space<hbm>>) dst(%dma_wait3A_302 : memref<128x64xf32, #tpu.memory_space<vmem>>)
      %mul3A_309 = arith.constant 4 : i32
      %mul3A_310 = arith.muli %mul3A_216, %mul3A_309 : i32
      %add3A_311 = arith.constant 2 : i32
      %add3A_312 = arith.addi %mul3A_310, %add3A_311 : i32
      %dma_wait3A_313 = arith.constant 2 : i32
      %dma_wait3A_314 = arith.constant 0 : i32
      %dma_wait3A_315 = arith.constant 0 : i32
      %dma_wait3A_316 = tpu.memref_slice %arg6[%dma_wait3A_313, %dma_wait3A_314, %dma_wait3A_315] : memref<8x128x64xf32, #tpu.memory_space<vmem>> -> memref<1x128x64xf32, #tpu.memory_space<vmem>>
      %dma_wait3A_317 = tpu.memref_squeeze %dma_wait3A_316 : memref<1x128x64xf32, #tpu.memory_space<vmem>> -> memref<128x64xf32, #tpu.memory_space<vmem>>
      %dma_wait3A_318 = arith.constant 0 : i32
      %dma_wait3A_319 = tpu.memref_slice %arg5[%add3A_312, %dma_wait3A_318] : memref<200x128xi32, #tpu.memory_space<vmem>> -> memref<1x128xi32, #tpu.memory_space<vmem>>
      %dma_wait3A_320 = tpu.memref_squeeze %dma_wait3A_319 : memref<1x128xi32, #tpu.memory_space<vmem>> -> memref<128xi32, #tpu.memory_space<vmem>>
      %dma_wait3A_321 = arith.constant 0 : i32
      %dma_wait3A_322 = arith.constant 0 : i32
      %dma_wait3A_323 = tpu.memref_slice %arg3[%dma_wait3A_321, %dma_wait3A_322] : memref<1000000x64xf32, #tpu.memory_space<hbm>> -> memref<1000000x64xf32, #tpu.memory_space<hbm>>
      tpu.wait_indirect_dma semaphore(%arg7 : memref<!tpu.dma_semaphore, #tpu.memory_space<semaphore_mem>>) src(%dma_wait3A_323 : memref<1000000x64xf32, #tpu.memory_space<hbm>>) dst(%dma_wait3A_317 : memref<128x64xf32, #tpu.memory_space<vmem>>)
      %mul3A_324 = arith.constant 4 : i32
      %mul3A_325 = arith.muli %mul3A_216, %mul3A_324 : i32
      %add3A_326 = arith.constant 3 : i32
      %add3A_327 = arith.addi %mul3A_325, %add3A_326 : i32
      %dma_wait3A_328 = arith.constant 3 : i32
      %dma_wait3A_329 = arith.constant 0 : i32
      %dma_wait3A_330 = arith.constant 0 : i32
      %dma_wait3A_331 = tpu.memref_slice %arg6[%dma_wait3A_328, %dma_wait3A_329, %dma_wait3A_330] : memref<8x128x64xf32, #tpu.memory_space<vmem>> -> memref<1x128x64xf32, #tpu.memory_space<vmem>>
      %dma_wait3A_332 = tpu.memref_squeeze %dma_wait3A_331 : memref<1x128x64xf32, #tpu.memory_space<vmem>> -> memref<128x64xf32, #tpu.memory_space<vmem>>
      %dma_wait3A_333 = arith.constant 0 : i32
      %dma_wait3A_334 = tpu.memref_slice %arg5[%add3A_327, %dma_wait3A_333] : memref<200x128xi32, #tpu.memory_space<vmem>> -> memref<1x128xi32, #tpu.memory_space<vmem>>
      %dma_wait3A_335 = tpu.memref_squeeze %dma_wait3A_334 : memref<1x128xi32, #tpu.memory_space<vmem>> -> memref<128xi32, #tpu.memory_space<vmem>>
      %dma_wait3A_336 = arith.constant 0 : i32
      %dma_wait3A_337 = arith.constant 0 : i32
      %dma_wait3A_338 = tpu.memref_slice %arg3[%dma_wait3A_336, %dma_wait3A_337] : memref<1000000x64xf32, #tpu.memory_space<hbm>> -> memref<1000000x64xf32, #tpu.memory_space<hbm>>
      tpu.wait_indirect_dma semaphore(%arg7 : memref<!tpu.dma_semaphore, #tpu.memory_space<semaphore_mem>>) src(%dma_wait3A_338 : memref<1000000x64xf32, #tpu.memory_space<hbm>>) dst(%dma_wait3A_332 : memref<128x64xf32, #tpu.memory_space<vmem>>)
      %scan3A_339 = arith.constant 0 : i32
      %scan3A_340 = arith.constant 0 : i32
      %scan3A_341 = arith.constant 128 : i32
      %scan3A_342 = arith.addi %scan3A_340, %scan3A_341 : i32
      %scan3A_343 = arith.constant 1 : i32
      scf.for %scan3A_481 = %scan3A_340 to %scan3A_342 step %scan3A_343  : i32 {
        %get3A = arith.constant 0 : i32
        %get3A_482 = arith.index_cast %get3A : i32 to index
        %get3A_483 = arith.index_cast %scan3A_481 : i32 to index
        %get3A_484 = arith.constant 0 : index
        %get3A_485 = tpu.vector_load %arg6[%get3A_482, %get3A_483, %get3A_484] {strides = array<i32>} : memref<8x128x64xf32, #tpu.memory_space<vmem>>, vector<1x1x16xf32>,
        %get3A_486 = vector.shape_cast %get3A_485 : vector<1x1x16xf32> to vector<16xf32>
        %mul3A_487 = arith.constant 8.000000e+00 : f32
        %mul3A_488 = vector.broadcast %mul3A_487 : f32 to vector<16xf32>
        %mul3A_489 = arith.mulf %get3A_486, %mul3A_488 : vector<16xf32>
        %swap3A = arith.constant 0 : i32
        %swap3A_490 = arith.index_cast %swap3A : i32 to index
        %swap3A_491 = arith.index_cast %scan3A_481 : i32 to index
        %swap3A_492 = arith.constant 0 : index
        %swap3A_493 = tpu.vector_load %arg6[%swap3A_490, %swap3A_491, %swap3A_492] {strides = array<i32>} : memref<8x128x64xf32, #tpu.memory_space<vmem>>, vector<1x1x16xf32>,
        %swap3A_494 = vector.shape_cast %swap3A_493 : vector<1x1x16xf32> to vector<16xf32>
        %swap3A_495 = vector.shape_cast %mul3A_489 : vector<16xf32> to vector<1x1x16xf32>
        tpu.vector_store %arg6[%swap3A_490, %swap3A_491, %swap3A_492], %swap3A_495 {strides = array<i32>} : memref<8x128x64xf32, #tpu.memory_space<vmem>>, vector<1x1x16xf32>,
        %get3A_496 = arith.constant 0 : i32
        %get3A_497 = arith.index_cast %get3A_496 : i32 to index
        %get3A_498 = arith.index_cast %scan3A_481 : i32 to index
        %get3A_499 = arith.constant 16 : index
        %get3A_500 = tpu.vector_load %arg6[%get3A_497, %get3A_498, %get3A_499] {strides = array<i32>} : memref<8x128x64xf32, #tpu.memory_space<vmem>>, vector<1x1x16xf32>,
        %get3A_501 = vector.shape_cast %get3A_500 : vector<1x1x16xf32> to vector<16xf32>
        %mul3A_502 = arith.constant 8.000000e+00 : f32
        %mul3A_503 = vector.broadcast %mul3A_502 : f32 to vector<16xf32>
        %mul3A_504 = arith.mulf %get3A_501, %mul3A_503 : vector<16xf32>
        %swap3A_505 = arith.constant 0 : i32
        %swap3A_506 = arith.index_cast %swap3A_505 : i32 to index
        %swap3A_507 = arith.index_cast %scan3A_481 : i32 to index
        %swap3A_508 = arith.constant 16 : index
        %swap3A_509 = tpu.vector_load %arg6[%swap3A_506, %swap3A_507, %swap3A_508] {strides = array<i32>} : memref<8x128x64xf32, #tpu.memory_space<vmem>>, vector<1x1x16xf32>,
        %swap3A_510 = vector.shape_cast %swap3A_509 : vector<1x1x16xf32> to vector<16xf32>
        %swap3A_511 = vector.shape_cast %mul3A_504 : vector<16xf32> to vector<1x1x16xf32>
        tpu.vector_store %arg6[%swap3A_506, %swap3A_507, %swap3A_508], %swap3A_511 {strides = array<i32>} : memref<8x128x64xf32, #tpu.memory_space<vmem>>, vector<1x1x16xf32>,
        %get3A_512 = arith.constant 0 : i32
        %get3A_513 = arith.index_cast %get3A_512 : i32 to index
        %get3A_514 = arith.index_cast %scan3A_481 : i32 to index
        %get3A_515 = arith.constant 32 : index
        %get3A_516 = tpu.vector_load %arg6[%get3A_513, %get3A_514, %get3A_515] {strides = array<i32>} : memref<8x128x64xf32, #tpu.memory_space<vmem>>, vector<1x1x16xf32>,
        %get3A_517 = vector.shape_cast %get3A_516 : vector<1x1x16xf32> to vector<16xf32>
        %mul3A_518 = arith.constant 8.000000e+00 : f32
        %mul3A_519 = vector.broadcast %mul3A_518 : f32 to vector<16xf32>
        %mul3A_520 = arith.mulf %get3A_517, %mul3A_519 : vector<16xf32>
        %swap3A_521 = arith.constant 0 : i32
        %swap3A_522 = arith.index_cast %swap3A_521 : i32 to index
        %swap3A_523 = arith.index_cast %scan3A_481 : i32 to index
        %swap3A_524 = arith.constant 32 : index
        %swap3A_525 = tpu.vector_load %arg6[%swap3A_522, %swap3A_523, %swap3A_524] {strides = array<i32>} : memref<8x128x64xf32, #tpu.memory_space<vmem>>, vector<1x1x16xf32>,
        %swap3A_526 = vector.shape_cast %swap3A_525 : vector<1x1x16xf32> to vector<16xf32>
        %swap3A_527 = vector.shape_cast %mul3A_520 : vector<16xf32> to vector<1x1x16xf32>
        tpu.vector_store %arg6[%swap3A_522, %swap3A_523, %swap3A_524], %swap3A_527 {strides = array<i32>} : memref<8x128x64xf32, #tpu.memory_space<vmem>>, vector<1x1x16xf32>,
        %get3A_528 = arith.constant 0 : i32
        %get3A_529 = arith.index_cast %get3A_528 : i32 to index
        %get3A_530 = arith.index_cast %scan3A_481 : i32 to index
        %get3A_531 = arith.constant 48 : index
        %get3A_532 = tpu.vector_load %arg6[%get3A_529, %get3A_530, %get3A_531] {strides = array<i32>} : memref<8x128x64xf32, #tpu.memory_space<vmem>>, vector<1x1x16xf32>,
        %get3A_533 = vector.shape_cast %get3A_532 : vector<1x1x16xf32> to vector<16xf32>
        %mul3A_534 = arith.constant 8.000000e+00 : f32
        %mul3A_535 = vector.broadcast %mul3A_534 : f32 to vector<16xf32>
        %mul3A_536 = arith.mulf %get3A_533, %mul3A_535 : vector<16xf32>
        %swap3A_537 = arith.constant 0 : i32
        %swap3A_538 = arith.index_cast %swap3A_537 : i32 to index
        %swap3A_539 = arith.index_cast %scan3A_481 : i32 to index
        %swap3A_540 = arith.constant 48 : index
        %swap3A_541 = tpu.vector_load %arg6[%swap3A_538, %swap3A_539, %swap3A_540] {strides = array<i32>} : memref<8x128x64xf32, #tpu.memory_space<vmem>>, vector<1x1x16xf32>,
        %swap3A_542 = vector.shape_cast %swap3A_541 : vector<1x1x16xf32> to vector<16xf32>
        %swap3A_543 = vector.shape_cast %mul3A_536 : vector<16xf32> to vector<1x1x16xf32>
        tpu.vector_store %arg6[%swap3A_538, %swap3A_539, %swap3A_540], %swap3A_543 {strides = array<i32>} : memref<8x128x64xf32, #tpu.memory_space<vmem>>, vector<1x1x16xf32>,
        %get3A_544 = arith.constant 1 : i32
        %get3A_545 = arith.index_cast %get3A_544 : i32 to index
        %get3A_546 = arith.index_cast %scan3A_481 : i32 to index
        %get3A_547 = arith.constant 0 : index
        %get3A_548 = tpu.vector_load %arg6[%get3A_545, %get3A_546, %get3A_547] {strides = array<i32>} : memref<8x128x64xf32, #tpu.memory_space<vmem>>, vector<1x1x16xf32>,
        %get3A_549 = vector.shape_cast %get3A_548 : vector<1x1x16xf32> to vector<16xf32>
        %mul3A_550 = arith.constant 8.000000e+00 : f32
        %mul3A_551 = vector.broadcast %mul3A_550 : f32 to vector<16xf32>
        %mul3A_552 = arith.mulf %get3A_549, %mul3A_551 : vector<16xf32>
        %swap3A_553 = arith.constant 1 : i32
        %swap3A_554 = arith.index_cast %swap3A_553 : i32 to index
        %swap3A_555 = arith.index_cast %scan3A_481 : i32 to index
        %swap3A_556 = arith.constant 0 : index
        %swap3A_557 = tpu.vector_load %arg6[%swap3A_554, %swap3A_555, %swap3A_556] {strides = array<i32>} : memref<8x128x64xf32, #tpu.memory_space<vmem>>, vector<1x1x16xf32>,
        %swap3A_558 = vector.shape_cast %swap3A_557 : vector<1x1x16xf32> to vector<16xf32>
        %swap3A_559 = vector.shape_cast %mul3A_552 : vector<16xf32> to vector<1x1x16xf32>
        tpu.vector_store %arg6[%swap3A_554, %swap3A_555, %swap3A_556], %swap3A_559 {strides = array<i32>} : memref<8x128x64xf32, #tpu.memory_space<vmem>>, vector<1x1x16xf32>,
        %get3A_560 = arith.constant 1 : i32
        %get3A_561 = arith.index_cast %get3A_560 : i32 to index
        %get3A_562 = arith.index_cast %scan3A_481 : i32 to index
        %get3A_563 = arith.constant 16 : index
        %get3A_564 = tpu.vector_load %arg6[%get3A_561, %get3A_562, %get3A_563] {strides = array<i32>} : memref<8x128x64xf32, #tpu.memory_space<vmem>>, vector<1x1x16xf32>,
        %get3A_565 = vector.shape_cast %get3A_564 : vector<1x1x16xf32> to vector<16xf32>
        %mul3A_566 = arith.constant 8.000000e+00 : f32
        %mul3A_567 = vector.broadcast %mul3A_566 : f32 to vector<16xf32>
        %mul3A_568 = arith.mulf %get3A_565, %mul3A_567 : vector<16xf32>
        %swap3A_569 = arith.constant 1 : i32
        %swap3A_570 = arith.index_cast %swap3A_569 : i32 to index
        %swap3A_571 = arith.index_cast %scan3A_481 : i32 to index
        %swap3A_572 = arith.constant 16 : index
        %swap3A_573 = tpu.vector_load %arg6[%swap3A_570, %swap3A_571, %swap3A_572] {strides = array<i32>} : memref<8x128x64xf32, #tpu.memory_space<vmem>>, vector<1x1x16xf32>,
        %swap3A_574 = vector.shape_cast %swap3A_573 : vector<1x1x16xf32> to vector<16xf32>
        %swap3A_575 = vector.shape_cast %mul3A_568 : vector<16xf32> to vector<1x1x16xf32>
        tpu.vector_store %arg6[%swap3A_570, %swap3A_571, %swap3A_572], %swap3A_575 {strides = array<i32>} : memref<8x128x64xf32, #tpu.memory_space<vmem>>, vector<1x1x16xf32>,
        %get3A_576 = arith.constant 1 : i32
        %get3A_577 = arith.index_cast %get3A_576 : i32 to index
        %get3A_578 = arith.index_cast %scan3A_481 : i32 to index
        %get3A_579 = arith.constant 32 : index
        %get3A_580 = tpu.vector_load %arg6[%get3A_577, %get3A_578, %get3A_579] {strides = array<i32>} : memref<8x128x64xf32, #tpu.memory_space<vmem>>, vector<1x1x16xf32>,
        %get3A_581 = vector.shape_cast %get3A_580 : vector<1x1x16xf32> to vector<16xf32>
        %mul3A_582 = arith.constant 8.000000e+00 : f32
        %mul3A_583 = vector.broadcast %mul3A_582 : f32 to vector<16xf32>
        %mul3A_584 = arith.mulf %get3A_581, %mul3A_583 : vector<16xf32>
        %swap3A_585 = arith.constant 1 : i32
        %swap3A_586 = arith.index_cast %swap3A_585 : i32 to index
        %swap3A_587 = arith.index_cast %scan3A_481 : i32 to index
        %swap3A_588 = arith.constant 32 : index
        %swap3A_589 = tpu.vector_load %arg6[%swap3A_586, %swap3A_587, %swap3A_588] {strides = array<i32>} : memref<8x128x64xf32, #tpu.memory_space<vmem>>, vector<1x1x16xf32>,
        %swap3A_590 = vector.shape_cast %swap3A_589 : vector<1x1x16xf32> to vector<16xf32>
        %swap3A_591 = vector.shape_cast %mul3A_584 : vector<16xf32> to vector<1x1x16xf32>
        tpu.vector_store %arg6[%swap3A_586, %swap3A_587, %swap3A_588], %swap3A_591 {strides = array<i32>} : memref<8x128x64xf32, #tpu.memory_space<vmem>>, vector<1x1x16xf32>,
        %get3A_592 = arith.constant 1 : i32
        %get3A_593 = arith.index_cast %get3A_592 : i32 to index
        %get3A_594 = arith.index_cast %scan3A_481 : i32 to index
        %get3A_595 = arith.constant 48 : index
        %get3A_596 = tpu.vector_load %arg6[%get3A_593, %get3A_594, %get3A_595] {strides = array<i32>} : memref<8x128x64xf32, #tpu.memory_space<vmem>>, vector<1x1x16xf32>,
        %get3A_597 = vector.shape_cast %get3A_596 : vector<1x1x16xf32> to vector<16xf32>
        %mul3A_598 = arith.constant 8.000000e+00 : f32
        %mul3A_599 = vector.broadcast %mul3A_598 : f32 to vector<16xf32>
        %mul3A_600 = arith.mulf %get3A_597, %mul3A_599 : vector<16xf32>
        %swap3A_601 = arith.constant 1 : i32
        %swap3A_602 = arith.index_cast %swap3A_601 : i32 to index
        %swap3A_603 = arith.index_cast %scan3A_481 : i32 to index
        %swap3A_604 = arith.constant 48 : index
        %swap3A_605 = tpu.vector_load %arg6[%swap3A_602, %swap3A_603, %swap3A_604] {strides = array<i32>} : memref<8x128x64xf32, #tpu.memory_space<vmem>>, vector<1x1x16xf32>,
        %swap3A_606 = vector.shape_cast %swap3A_605 : vector<1x1x16xf32> to vector<16xf32>
        %swap3A_607 = vector.shape_cast %mul3A_600 : vector<16xf32> to vector<1x1x16xf32>
        tpu.vector_store %arg6[%swap3A_602, %swap3A_603, %swap3A_604], %swap3A_607 {strides = array<i32>} : memref<8x128x64xf32, #tpu.memory_space<vmem>>, vector<1x1x16xf32>,
        %get3A_608 = arith.constant 2 : i32
        %get3A_609 = arith.index_cast %get3A_608 : i32 to index
        %get3A_610 = arith.index_cast %scan3A_481 : i32 to index
        %get3A_611 = arith.constant 0 : index
        %get3A_612 = tpu.vector_load %arg6[%get3A_609, %get3A_610, %get3A_611] {strides = array<i32>} : memref<8x128x64xf32, #tpu.memory_space<vmem>>, vector<1x1x16xf32>,
        %get3A_613 = vector.shape_cast %get3A_612 : vector<1x1x16xf32> to vector<16xf32>
        %mul3A_614 = arith.constant 8.000000e+00 : f32
        %mul3A_615 = vector.broadcast %mul3A_614 : f32 to vector<16xf32>
        %mul3A_616 = arith.mulf %get3A_613, %mul3A_615 : vector<16xf32>
        %swap3A_617 = arith.constant 2 : i32
        %swap3A_618 = arith.index_cast %swap3A_617 : i32 to index
        %swap3A_619 = arith.index_cast %scan3A_481 : i32 to index
        %swap3A_620 = arith.constant 0 : index
        %swap3A_621 = tpu.vector_load %arg6[%swap3A_618, %swap3A_619, %swap3A_620] {strides = array<i32>} : memref<8x128x64xf32, #tpu.memory_space<vmem>>, vector<1x1x16xf32>,
        %swap3A_622 = vector.shape_cast %swap3A_621 : vector<1x1x16xf32> to vector<16xf32>
        %swap3A_623 = vector.shape_cast %mul3A_616 : vector<16xf32> to vector<1x1x16xf32>
        tpu.vector_store %arg6[%swap3A_618, %swap3A_619, %swap3A_620], %swap3A_623 {strides = array<i32>} : memref<8x128x64xf32, #tpu.memory_space<vmem>>, vector<1x1x16xf32>,
        %get3A_624 = arith.constant 2 : i32
        %get3A_625 = arith.index_cast %get3A_624 : i32 to index
        %get3A_626 = arith.index_cast %scan3A_481 : i32 to index
        %get3A_627 = arith.constant 16 : index
        %get3A_628 = tpu.vector_load %arg6[%get3A_625, %get3A_626, %get3A_627] {strides = array<i32>} : memref<8x128x64xf32, #tpu.memory_space<vmem>>, vector<1x1x16xf32>,
        %get3A_629 = vector.shape_cast %get3A_628 : vector<1x1x16xf32> to vector<16xf32>
        %mul3A_630 = arith.constant 8.000000e+00 : f32
        %mul3A_631 = vector.broadcast %mul3A_630 : f32 to vector<16xf32>
        %mul3A_632 = arith.mulf %get3A_629, %mul3A_631 : vector<16xf32>
        %swap3A_633 = arith.constant 2 : i32
        %swap3A_634 = arith.index_cast %swap3A_633 : i32 to index
        %swap3A_635 = arith.index_cast %scan3A_481 : i32 to index
        %swap3A_636 = arith.constant 16 : index
        %swap3A_637 = tpu.vector_load %arg6[%swap3A_634, %swap3A_635, %swap3A_636] {strides = array<i32>} : memref<8x128x64xf32, #tpu.memory_space<vmem>>, vector<1x1x16xf32>,
        %swap3A_638 = vector.shape_cast %swap3A_637 : vector<1x1x16xf32> to vector<16xf32>
        %swap3A_639 = vector.shape_cast %mul3A_632 : vector<16xf32> to vector<1x1x16xf32>
        tpu.vector_store %arg6[%swap3A_634, %swap3A_635, %swap3A_636], %swap3A_639 {strides = array<i32>} : memref<8x128x64xf32, #tpu.memory_space<vmem>>, vector<1x1x16xf32>,
        %get3A_640 = arith.constant 2 : i32
        %get3A_641 = arith.index_cast %get3A_640 : i32 to index
        %get3A_642 = arith.index_cast %scan3A_481 : i32 to index
        %get3A_643 = arith.constant 32 : index
        %get3A_644 = tpu.vector_load %arg6[%get3A_641, %get3A_642, %get3A_643] {strides = array<i32>} : memref<8x128x64xf32, #tpu.memory_space<vmem>>, vector<1x1x16xf32>,
        %get3A_645 = vector.shape_cast %get3A_644 : vector<1x1x16xf32> to vector<16xf32>
        %mul3A_646 = arith.constant 8.000000e+00 : f32
        %mul3A_647 = vector.broadcast %mul3A_646 : f32 to vector<16xf32>
        %mul3A_648 = arith.mulf %get3A_645, %mul3A_647 : vector<16xf32>
        %swap3A_649 = arith.constant 2 : i32
        %swap3A_650 = arith.index_cast %swap3A_649 : i32 to index
        %swap3A_651 = arith.index_cast %scan3A_481 : i32 to index
        %swap3A_652 = arith.constant 32 : index
        %swap3A_653 = tpu.vector_load %arg6[%swap3A_650, %swap3A_651, %swap3A_652] {strides = array<i32>} : memref<8x128x64xf32, #tpu.memory_space<vmem>>, vector<1x1x16xf32>,
        %swap3A_654 = vector.shape_cast %swap3A_653 : vector<1x1x16xf32> to vector<16xf32>
        %swap3A_655 = vector.shape_cast %mul3A_648 : vector<16xf32> to vector<1x1x16xf32>
        tpu.vector_store %arg6[%swap3A_650, %swap3A_651, %swap3A_652], %swap3A_655 {strides = array<i32>} : memref<8x128x64xf32, #tpu.memory_space<vmem>>, vector<1x1x16xf32>,
        %get3A_656 = arith.constant 2 : i32
        %get3A_657 = arith.index_cast %get3A_656 : i32 to index
        %get3A_658 = arith.index_cast %scan3A_481 : i32 to index
        %get3A_659 = arith.constant 48 : index
        %get3A_660 = tpu.vector_load %arg6[%get3A_657, %get3A_658, %get3A_659] {strides = array<i32>} : memref<8x128x64xf32, #tpu.memory_space<vmem>>, vector<1x1x16xf32>,
        %get3A_661 = vector.shape_cast %get3A_660 : vector<1x1x16xf32> to vector<16xf32>
        %mul3A_662 = arith.constant 8.000000e+00 : f32
        %mul3A_663 = vector.broadcast %mul3A_662 : f32 to vector<16xf32>
        %mul3A_664 = arith.mulf %get3A_661, %mul3A_663 : vector<16xf32>
        %swap3A_665 = arith.constant 2 : i32
        %swap3A_666 = arith.index_cast %swap3A_665 : i32 to index
        %swap3A_667 = arith.index_cast %scan3A_481 : i32 to index
        %swap3A_668 = arith.constant 48 : index
        %swap3A_669 = tpu.vector_load %arg6[%swap3A_666, %swap3A_667, %swap3A_668] {strides = array<i32>} : memref<8x128x64xf32, #tpu.memory_space<vmem>>, vector<1x1x16xf32>,
        %swap3A_670 = vector.shape_cast %swap3A_669 : vector<1x1x16xf32> to vector<16xf32>
        %swap3A_671 = vector.shape_cast %mul3A_664 : vector<16xf32> to vector<1x1x16xf32>
        tpu.vector_store %arg6[%swap3A_666, %swap3A_667, %swap3A_668], %swap3A_671 {strides = array<i32>} : memref<8x128x64xf32, #tpu.memory_space<vmem>>, vector<1x1x16xf32>,
        %get3A_672 = arith.constant 3 : i32
        %get3A_673 = arith.index_cast %get3A_672 : i32 to index
        %get3A_674 = arith.index_cast %scan3A_481 : i32 to index
        %get3A_675 = arith.constant 0 : index
        %get3A_676 = tpu.vector_load %arg6[%get3A_673, %get3A_674, %get3A_675] {strides = array<i32>} : memref<8x128x64xf32, #tpu.memory_space<vmem>>, vector<1x1x16xf32>,
        %get3A_677 = vector.shape_cast %get3A_676 : vector<1x1x16xf32> to vector<16xf32>
        %mul3A_678 = arith.constant 8.000000e+00 : f32
        %mul3A_679 = vector.broadcast %mul3A_678 : f32 to vector<16xf32>
        %mul3A_680 = arith.mulf %get3A_677, %mul3A_679 : vector<16xf32>
        %swap3A_681 = arith.constant 3 : i32
        %swap3A_682 = arith.index_cast %swap3A_681 : i32 to index
        %swap3A_683 = arith.index_cast %scan3A_481 : i32 to index
        %swap3A_684 = arith.constant 0 : index
        %swap3A_685 = tpu.vector_load %arg6[%swap3A_682, %swap3A_683, %swap3A_684] {strides = array<i32>} : memref<8x128x64xf32, #tpu.memory_space<vmem>>, vector<1x1x16xf32>,
        %swap3A_686 = vector.shape_cast %swap3A_685 : vector<1x1x16xf32> to vector<16xf32>
        %swap3A_687 = vector.shape_cast %mul3A_680 : vector<16xf32> to vector<1x1x16xf32>
        tpu.vector_store %arg6[%swap3A_682, %swap3A_683, %swap3A_684], %swap3A_687 {strides = array<i32>} : memref<8x128x64xf32, #tpu.memory_space<vmem>>, vector<1x1x16xf32>,
        %get3A_688 = arith.constant 3 : i32
        %get3A_689 = arith.index_cast %get3A_688 : i32 to index
        %get3A_690 = arith.index_cast %scan3A_481 : i32 to index
        %get3A_691 = arith.constant 16 : index
        %get3A_692 = tpu.vector_load %arg6[%get3A_689, %get3A_690, %get3A_691] {strides = array<i32>} : memref<8x128x64xf32, #tpu.memory_space<vmem>>, vector<1x1x16xf32>,
        %get3A_693 = vector.shape_cast %get3A_692 : vector<1x1x16xf32> to vector<16xf32>
        %mul3A_694 = arith.constant 8.000000e+00 : f32
        %mul3A_695 = vector.broadcast %mul3A_694 : f32 to vector<16xf32>
        %mul3A_696 = arith.mulf %get3A_693, %mul3A_695 : vector<16xf32>
        %swap3A_697 = arith.constant 3 : i32
        %swap3A_698 = arith.index_cast %swap3A_697 : i32 to index
        %swap3A_699 = arith.index_cast %scan3A_481 : i32 to index
        %swap3A_700 = arith.constant 16 : index
        %swap3A_701 = tpu.vector_load %arg6[%swap3A_698, %swap3A_699, %swap3A_700] {strides = array<i32>} : memref<8x128x64xf32, #tpu.memory_space<vmem>>, vector<1x1x16xf32>,
        %swap3A_702 = vector.shape_cast %swap3A_701 : vector<1x1x16xf32> to vector<16xf32>
        %swap3A_703 = vector.shape_cast %mul3A_696 : vector<16xf32> to vector<1x1x16xf32>
        tpu.vector_store %arg6[%swap3A_698, %swap3A_699, %swap3A_700], %swap3A_703 {strides = array<i32>} : memref<8x128x64xf32, #tpu.memory_space<vmem>>, vector<1x1x16xf32>,
        %get3A_704 = arith.constant 3 : i32
        %get3A_705 = arith.index_cast %get3A_704 : i32 to index
        %get3A_706 = arith.index_cast %scan3A_481 : i32 to index
        %get3A_707 = arith.constant 32 : index
        %get3A_708 = tpu.vector_load %arg6[%get3A_705, %get3A_706, %get3A_707] {strides = array<i32>} : memref<8x128x64xf32, #tpu.memory_space<vmem>>, vector<1x1x16xf32>,
        %get3A_709 = vector.shape_cast %get3A_708 : vector<1x1x16xf32> to vector<16xf32>
        %mul3A_710 = arith.constant 8.000000e+00 : f32
        %mul3A_711 = vector.broadcast %mul3A_710 : f32 to vector<16xf32>
        %mul3A_712 = arith.mulf %get3A_709, %mul3A_711 : vector<16xf32>
        %swap3A_713 = arith.constant 3 : i32
        %swap3A_714 = arith.index_cast %swap3A_713 : i32 to index
        %swap3A_715 = arith.index_cast %scan3A_481 : i32 to index
        %swap3A_716 = arith.constant 32 : index
        %swap3A_717 = tpu.vector_load %arg6[%swap3A_714, %swap3A_715, %swap3A_716] {strides = array<i32>} : memref<8x128x64xf32, #tpu.memory_space<vmem>>, vector<1x1x16xf32>,
        %swap3A_718 = vector.shape_cast %swap3A_717 : vector<1x1x16xf32> to vector<16xf32>
        %swap3A_719 = vector.shape_cast %mul3A_712 : vector<16xf32> to vector<1x1x16xf32>
        tpu.vector_store %arg6[%swap3A_714, %swap3A_715, %swap3A_716], %swap3A_719 {strides = array<i32>} : memref<8x128x64xf32, #tpu.memory_space<vmem>>, vector<1x1x16xf32>,
        %get3A_720 = arith.constant 3 : i32
        %get3A_721 = arith.index_cast %get3A_720 : i32 to index
        %get3A_722 = arith.index_cast %scan3A_481 : i32 to index
        %get3A_723 = arith.constant 48 : index
        %get3A_724 = tpu.vector_load %arg6[%get3A_721, %get3A_722, %get3A_723] {strides = array<i32>} : memref<8x128x64xf32, #tpu.memory_space<vmem>>, vector<1x1x16xf32>,
        %get3A_725 = vector.shape_cast %get3A_724 : vector<1x1x16xf32> to vector<16xf32>
        %mul3A_726 = arith.constant 8.000000e+00 : f32
        %mul3A_727 = vector.broadcast %mul3A_726 : f32 to vector<16xf32>
        %mul3A_728 = arith.mulf %get3A_725, %mul3A_727 : vector<16xf32>
        %swap3A_729 = arith.constant 3 : i32
        %swap3A_730 = arith.index_cast %swap3A_729 : i32 to index
        %swap3A_731 = arith.index_cast %scan3A_481 : i32 to index
        %swap3A_732 = arith.constant 48 : index
        %swap3A_733 = tpu.vector_load %arg6[%swap3A_730, %swap3A_731, %swap3A_732] {strides = array<i32>} : memref<8x128x64xf32, #tpu.memory_space<vmem>>, vector<1x1x16xf32>,
        %swap3A_734 = vector.shape_cast %swap3A_733 : vector<1x1x16xf32> to vector<16xf32>
        %swap3A_735 = vector.shape_cast %mul3A_728 : vector<16xf32> to vector<1x1x16xf32>
        tpu.vector_store %arg6[%swap3A_730, %swap3A_731, %swap3A_732], %swap3A_735 {strides = array<i32>} : memref<8x128x64xf32, #tpu.memory_space<vmem>>, vector<1x1x16xf32>,
      }
      %scan3A_344 = arith.constant 128 : i32
      %mul3A_345 = arith.constant 4 : i32
      %mul3A_346 = arith.muli %mul3A_216, %mul3A_345 : i32
      %add3A_347 = arith.addi %mul3A_2, %mul3A_346 : i32
      "tpu.region"() ({
        %run_scoped3A = tpu.sem_alloc : memref<!tpu.dma_semaphore, #tpu.memory_space<semaphore_mem>>
        %dma_start3A_481 = arith.constant 0 : i32
        %dma_start3A_482 = arith.constant 0 : i32
        %dma_start3A_483 = arith.constant 0 : i32
        %dma_start3A_484 = tpu.memref_slice %arg6[%dma_start3A_481, %dma_start3A_482, %dma_start3A_483] : memref<8x128x64xf32, #tpu.memory_space<vmem>> -> memref<4x128x64xf32, #tpu.memory_space<vmem>>
        %dma_start3A_485 = arith.constant 0 : i32
        %dma_start3A_486 = arith.constant 0 : i32
        %dma_start3A_487 = tpu.memref_slice %arg4[%add3A_347, %dma_start3A_485, %dma_start3A_486] : memref<6400x128x64xf32, #tpu.memory_space<hbm>> -> memref<4x128x64xf32, #tpu.memory_space<hbm>>
        %dma_start3A_488 = arith.constant 0 : i32
        %dma_start3A_489 = arith.constant 0 : i32
        %dma_start3A_490 = tpu.memref_slice %arg4[%add3A_347, %dma_start3A_488, %dma_start3A_489] : memref<6400x128x64xf32, #tpu.memory_space<hbm>> -> memref<4x128x64xf32, #tpu.memory_space<hbm>>
        %dma_start3A_491 = arith.constant 0 : i32
        %dma_start3A_492 = arith.constant 0 : i32
        %dma_start3A_493 = arith.constant 0 : i32
        %dma_start3A_494 = tpu.memref_slice %arg6[%dma_start3A_491, %dma_start3A_492, %dma_start3A_493] : memref<8x128x64xf32, #tpu.memory_space<vmem>> -> memref<4x128x64xf32, #tpu.memory_space<vmem>>
        tpu.enqueue_dma source(%dma_start3A_494 : memref<4x128x64xf32, #tpu.memory_space<vmem>>) target(%dma_start3A_490 : memref<4x128x64xf32, #tpu.memory_space<hbm>>) target_semaphore(%run_scoped3A : memref<!tpu.dma_semaphore, #tpu.memory_space<semaphore_mem>>)
        %dma_wait3A_495 = arith.constant 0 : i32
        %dma_wait3A_496 = arith.constant 0 : i32
        %dma_wait3A_497 = arith.constant 0 : i32
        %dma_wait3A_498 = tpu.memref_slice %arg6[%dma_wait3A_495, %dma_wait3A_496, %dma_wait3A_497] : memref<8x128x64xf32, #tpu.memory_space<vmem>> -> memref<4x128x64xf32, #tpu.memory_space<vmem>>
        %dma_wait3A_499 = arith.constant 0 : i32
        %dma_wait3A_500 = arith.constant 0 : i32
        %dma_wait3A_501 = tpu.memref_slice %arg4[%add3A_347, %dma_wait3A_499, %dma_wait3A_500] : memref<6400x128x64xf32, #tpu.memory_space<hbm>> -> memref<4x128x64xf32, #tpu.memory_space<hbm>>
        %dma_wait3A_502 = arith.constant 0 : i32
        %dma_wait3A_503 = arith.constant 0 : i32
        %dma_wait3A_504 = tpu.memref_slice %arg4[%add3A_347, %dma_wait3A_502, %dma_wait3A_503] : memref<6400x128x64xf32, #tpu.memory_space<hbm>> -> memref<4x128x64xf32, #tpu.memory_space<hbm>>
        %dma_wait3A_505 = arith.constant 0 : i32
        %dma_wait3A_506 = arith.constant 0 : i32
        %dma_wait3A_507 = arith.constant 0 : i32
        %dma_wait3A_508 = tpu.memref_slice %arg6[%dma_wait3A_505, %dma_wait3A_506, %dma_wait3A_507] : memref<8x128x64xf32, #tpu.memory_space<vmem>> -> memref<4x128x64xf32, #tpu.memory_space<vmem>>
        tpu.wait_dma2 semaphore(%run_scoped3A : memref<!tpu.dma_semaphore, #tpu.memory_space<semaphore_mem>>) src(%dma_wait3A_508 : memref<4x128x64xf32, #tpu.memory_space<vmem>>) dst(%dma_wait3A_504 : memref<4x128x64xf32, #tpu.memory_space<hbm>>)
        tpu.yield
      }) : () -> ()
      %add3A_348 = arith.constant 2 : i32
      %add3A_349 = arith.addi %mul3A_216, %add3A_348 : i32
      %mul3A_350 = arith.constant 4 : i32
      %mul3A_351 = arith.muli %add3A_349, %mul3A_350 : i32
      %add3A_352 = arith.constant 0 : i32
      %add3A_353 = arith.addi %mul3A_351, %add3A_352 : i32
      %dma_start3A_354 = arith.constant 0 : i32
      %dma_start3A_355 = arith.constant 0 : i32
      %dma_start3A_356 = arith.constant 0 : i32
      %dma_start3A_357 = tpu.memref_slice %arg6[%dma_start3A_354, %dma_start3A_355, %dma_start3A_356] : memref<8x128x64xf32, #tpu.memory_space<vmem>> -> memref<1x128x64xf32, #tpu.memory_space<vmem>>
      %dma_start3A_358 = tpu.memref_squeeze %dma_start3A_357 : memref<1x128x64xf32, #tpu.memory_space<vmem>> -> memref<128x64xf32, #tpu.memory_space<vmem>>
      %dma_start3A_359 = arith.constant 0 : i32
      %dma_start3A_360 = tpu.memref_slice %arg5[%add3A_353, %dma_start3A_359] : memref<200x128xi32, #tpu.memory_space<vmem>> -> memref<1x128xi32, #tpu.memory_space<vmem>>
      %dma_start3A_361 = tpu.memref_squeeze %dma_start3A_360 : memref<1x128xi32, #tpu.memory_space<vmem>> -> memref<128xi32, #tpu.memory_space<vmem>>
      %dma_start3A_362 = arith.constant 0 : i32
      %dma_start3A_363 = arith.constant 0 : i32
      %dma_start3A_364 = tpu.memref_slice %arg3[%dma_start3A_362, %dma_start3A_363] : memref<1000000x64xf32, #tpu.memory_space<hbm>> -> memref<1000000x64xf32, #tpu.memory_space<hbm>>
      tpu.enqueue_indirect_dma source(%dma_start3A_364 : memref<1000000x64xf32, #tpu.memory_space<hbm>>) target(%dma_start3A_358 : memref<128x64xf32, #tpu.memory_space<vmem>>) offsets(%dma_start3A_361 : memref<128xi32, #tpu.memory_space<vmem>>) semaphore(%arg7 : memref<!tpu.dma_semaphore, #tpu.memory_space<semaphore_mem>>)
      %mul3A_365 = arith.constant 4 : i32
      %mul3A_366 = arith.muli %add3A_349, %mul3A_365 : i32
      %add3A_367 = arith.constant 1 : i32
      %add3A_368 = arith.addi %mul3A_366, %add3A_367 : i32
      %dma_start3A_369 = arith.constant 1 : i32
      %dma_start3A_370 = arith.constant 0 : i32
      %dma_start3A_371 = arith.constant 0 : i32
      %dma_start3A_372 = tpu.memref_slice %arg6[%dma_start3A_369, %dma_start3A_370, %dma_start3A_371] : memref<8x128x64xf32, #tpu.memory_space<vmem>> -> memref<1x128x64xf32, #tpu.memory_space<vmem>>
      %dma_start3A_373 = tpu.memref_squeeze %dma_start3A_372 : memref<1x128x64xf32, #tpu.memory_space<vmem>> -> memref<128x64xf32, #tpu.memory_space<vmem>>
      %dma_start3A_374 = arith.constant 0 : i32
      %dma_start3A_375 = tpu.memref_slice %arg5[%add3A_368, %dma_start3A_374] : memref<200x128xi32, #tpu.memory_space<vmem>> -> memref<1x128xi32, #tpu.memory_space<vmem>>
      %dma_start3A_376 = tpu.memref_squeeze %dma_start3A_375 : memref<1x128xi32, #tpu.memory_space<vmem>> -> memref<128xi32, #tpu.memory_space<vmem>>
      %dma_start3A_377 = arith.constant 0 : i32
      %dma_start3A_378 = arith.constant 0 : i32
      %dma_start3A_379 = tpu.memref_slice %arg3[%dma_start3A_377, %dma_start3A_378] : memref<1000000x64xf32, #tpu.memory_space<hbm>> -> memref<1000000x64xf32, #tpu.memory_space<hbm>>
      tpu.enqueue_indirect_dma source(%dma_start3A_379 : memref<1000000x64xf32, #tpu.memory_space<hbm>>) target(%dma_start3A_373 : memref<128x64xf32, #tpu.memory_space<vmem>>) offsets(%dma_start3A_376 : memref<128xi32, #tpu.memory_space<vmem>>) semaphore(%arg7 : memref<!tpu.dma_semaphore, #tpu.memory_space<semaphore_mem>>)
      %mul3A_380 = arith.constant 4 : i32
      %mul3A_381 = arith.muli %add3A_349, %mul3A_380 : i32
      %add3A_382 = arith.constant 2 : i32
      %add3A_383 = arith.addi %mul3A_381, %add3A_382 : i32
      %dma_start3A_384 = arith.constant 2 : i32
      %dma_start3A_385 = arith.constant 0 : i32
      %dma_start3A_386 = arith.constant 0 : i32
      %dma_start3A_387 = tpu.memref_slice %arg6[%dma_start3A_384, %dma_start3A_385, %dma_start3A_386] : memref<8x128x64xf32, #tpu.memory_space<vmem>> -> memref<1x128x64xf32, #tpu.memory_space<vmem>>
      %dma_start3A_388 = tpu.memref_squeeze %dma_start3A_387 : memref<1x128x64xf32, #tpu.memory_space<vmem>> -> memref<128x64xf32, #tpu.memory_space<vmem>>
      %dma_start3A_389 = arith.constant 0 : i32
      %dma_start3A_390 = tpu.memref_slice %arg5[%add3A_383, %dma_start3A_389] : memref<200x128xi32, #tpu.memory_space<vmem>> -> memref<1x128xi32, #tpu.memory_space<vmem>>
      %dma_start3A_391 = tpu.memref_squeeze %dma_start3A_390 : memref<1x128xi32, #tpu.memory_space<vmem>> -> memref<128xi32, #tpu.memory_space<vmem>>
      %dma_start3A_392 = arith.constant 0 : i32
      %dma_start3A_393 = arith.constant 0 : i32
      %dma_start3A_394 = tpu.memref_slice %arg3[%dma_start3A_392, %dma_start3A_393] : memref<1000000x64xf32, #tpu.memory_space<hbm>> -> memref<1000000x64xf32, #tpu.memory_space<hbm>>
      tpu.enqueue_indirect_dma source(%dma_start3A_394 : memref<1000000x64xf32, #tpu.memory_space<hbm>>) target(%dma_start3A_388 : memref<128x64xf32, #tpu.memory_space<vmem>>) offsets(%dma_start3A_391 : memref<128xi32, #tpu.memory_space<vmem>>) semaphore(%arg7 : memref<!tpu.dma_semaphore, #tpu.memory_space<semaphore_mem>>)
      %mul3A_395 = arith.constant 4 : i32
      %mul3A_396 = arith.muli %add3A_349, %mul3A_395 : i32
      %add3A_397 = arith.constant 3 : i32
      %add3A_398 = arith.addi %mul3A_396, %add3A_397 : i32
      %dma_start3A_399 = arith.constant 3 : i32
      %dma_start3A_400 = arith.constant 0 : i32
      %dma_start3A_401 = arith.constant 0 : i32
      %dma_start3A_402 = tpu.memref_slice %arg6[%dma_start3A_399, %dma_start3A_400, %dma_start3A_401] : memref<8x128x64xf32, #tpu.memory_space<vmem>> -> memref<1x128x64xf32, #tpu.memory_space<vmem>>
      %dma_start3A_403 = tpu.memref_squeeze %dma_start3A_402 : memref<1x128x64xf32, #tpu.memory_space<vmem>> -> memref<128x64xf32, #tpu.memory_space<vmem>>
      %dma_start3A_404 = arith.constant 0 : i32
      %dma_start3A_405 = tpu.memref_slice %arg5[%add3A_398, %dma_start3A_404] : memref<200x128xi32, #tpu.memory_space<vmem>> -> memref<1x128xi32, #tpu.memory_space<vmem>>
      %dma_start3A_406 = tpu.memref_squeeze %dma_start3A_405 : memref<1x128xi32, #tpu.memory_space<vmem>> -> memref<128xi32, #tpu.memory_space<vmem>>
      %dma_start3A_407 = arith.constant 0 : i32
      %dma_start3A_408 = arith.constant 0 : i32
      %dma_start3A_409 = tpu.memref_slice %arg3[%dma_start3A_407, %dma_start3A_408] : memref<1000000x64xf32, #tpu.memory_space<hbm>> -> memref<1000000x64xf32, #tpu.memory_space<hbm>>
      tpu.enqueue_indirect_dma source(%dma_start3A_409 : memref<1000000x64xf32, #tpu.memory_space<hbm>>) target(%dma_start3A_403 : memref<128x64xf32, #tpu.memory_space<vmem>>) offsets(%dma_start3A_406 : memref<128xi32, #tpu.memory_space<vmem>>) semaphore(%arg7 : memref<!tpu.dma_semaphore, #tpu.memory_space<semaphore_mem>>)
      %add3A_410 = arith.constant 1 : i32
      %add3A_411 = arith.addi %mul3A_216, %add3A_410 : i32
      %mul3A_412 = arith.constant 4 : i32
      %mul3A_413 = arith.muli %add3A_411, %mul3A_412 : i32
      %add3A_414 = arith.constant 0 : i32
      %add3A_415 = arith.addi %mul3A_413, %add3A_414 : i32
      %dma_wait3A_416 = arith.constant 4 : i32
      %dma_wait3A_417 = arith.constant 0 : i32
      %dma_wait3A_418 = arith.constant 0 : i32
      %dma_wait3A_419 = tpu.memref_slice %arg6[%dma_wait3A_416, %dma_wait3A_417, %dma_wait3A_418] : memref<8x128x64xf32, #tpu.memory_space<vmem>> -> memref<1x128x64xf32, #tpu.memory_space<vmem>>
      %dma_wait3A_420 = tpu.memref_squeeze %dma_wait3A_419 : memref<1x128x64xf32, #tpu.memory_space<vmem>> -> memref<128x64xf32, #tpu.memory_space<vmem>>
      %dma_wait3A_421 = arith.constant 0 : i32
      %dma_wait3A_422 = tpu.memref_slice %arg5[%add3A_415, %dma_wait3A_421] : memref<200x128xi32, #tpu.memory_space<vmem>> -> memref<1x128xi32, #tpu.memory_space<vmem>>
      %dma_wait3A_423 = tpu.memref_squeeze %dma_wait3A_422 : memref<1x128xi32, #tpu.memory_space<vmem>> -> memref<128xi32, #tpu.memory_space<vmem>>
      %dma_wait3A_424 = arith.constant 0 : i32
      %dma_wait3A_425 = arith.constant 0 : i32
      %dma_wait3A_426 = tpu.memref_slice %arg3[%dma_wait3A_424, %dma_wait3A_425] : memref<1000000x64xf32, #tpu.memory_space<hbm>> -> memref<1000000x64xf32, #tpu.memory_space<hbm>>
      tpu.wait_indirect_dma semaphore(%arg7 : memref<!tpu.dma_semaphore, #tpu.memory_space<semaphore_mem>>) src(%dma_wait3A_426 : memref<1000000x64xf32, #tpu.memory_space<hbm>>) dst(%dma_wait3A_420 : memref<128x64xf32, #tpu.memory_space<vmem>>)
      %mul3A_427 = arith.constant 4 : i32
      %mul3A_428 = arith.muli %add3A_411, %mul3A_427 : i32
      %add3A_429 = arith.constant 1 : i32
      %add3A_430 = arith.addi %mul3A_428, %add3A_429 : i32
      %dma_wait3A_431 = arith.constant 5 : i32
      %dma_wait3A_432 = arith.constant 0 : i32
      %dma_wait3A_433 = arith.constant 0 : i32
      %dma_wait3A_434 = tpu.memref_slice %arg6[%dma_wait3A_431, %dma_wait3A_432, %dma_wait3A_433] : memref<8x128x64xf32, #tpu.memory_space<vmem>> -> memref<1x128x64xf32, #tpu.memory_space<vmem>>
      %dma_wait3A_435 = tpu.memref_squeeze %dma_wait3A_434 : memref<1x128x64xf32, #tpu.memory_space<vmem>> -> memref<128x64xf32, #tpu.memory_space<vmem>>
      %dma_wait3A_436 = arith.constant 0 : i32
      %dma_wait3A_437 = tpu.memref_slice %arg5[%add3A_430, %dma_wait3A_436] : memref<200x128xi32, #tpu.memory_space<vmem>> -> memref<1x128xi32, #tpu.memory_space<vmem>>
      %dma_wait3A_438 = tpu.memref_squeeze %dma_wait3A_437 : memref<1x128xi32, #tpu.memory_space<vmem>> -> memref<128xi32, #tpu.memory_space<vmem>>
      %dma_wait3A_439 = arith.constant 0 : i32
      %dma_wait3A_440 = arith.constant 0 : i32
      %dma_wait3A_441 = tpu.memref_slice %arg3[%dma_wait3A_439, %dma_wait3A_440] : memref<1000000x64xf32, #tpu.memory_space<hbm>> -> memref<1000000x64xf32, #tpu.memory_space<hbm>>
      tpu.wait_indirect_dma semaphore(%arg7 : memref<!tpu.dma_semaphore, #tpu.memory_space<semaphore_mem>>) src(%dma_wait3A_441 : memref<1000000x64xf32, #tpu.memory_space<hbm>>) dst(%dma_wait3A_435 : memref<128x64xf32, #tpu.memory_space<vmem>>)
      %mul3A_442 = arith.constant 4 : i32
      %mul3A_443 = arith.muli %add3A_411, %mul3A_442 : i32
      %add3A_444 = arith.constant 2 : i32
      %add3A_445 = arith.addi %mul3A_443, %add3A_444 : i32
      %dma_wait3A_446 = arith.constant 6 : i32
      %dma_wait3A_447 = arith.constant 0 : i32
      %dma_wait3A_448 = arith.constant 0 : i32
      %dma_wait3A_449 = tpu.memref_slice %arg6[%dma_wait3A_446, %dma_wait3A_447, %dma_wait3A_448] : memref<8x128x64xf32, #tpu.memory_space<vmem>> -> memref<1x128x64xf32, #tpu.memory_space<vmem>>
      %dma_wait3A_450 = tpu.memref_squeeze %dma_wait3A_449 : memref<1x128x64xf32, #tpu.memory_space<vmem>> -> memref<128x64xf32, #tpu.memory_space<vmem>>
      %dma_wait3A_451 = arith.constant 0 : i32
      %dma_wait3A_452 = tpu.memref_slice %arg5[%add3A_445, %dma_wait3A_451] : memref<200x128xi32, #tpu.memory_space<vmem>> -> memref<1x128xi32, #tpu.memory_space<vmem>>
      %dma_wait3A_453 = tpu.memref_squeeze %dma_wait3A_452 : memref<1x128xi32, #tpu.memory_space<vmem>> -> memref<128xi32, #tpu.memory_space<vmem>>
      %dma_wait3A_454 = arith.constant 0 : i32
      %dma_wait3A_455 = arith.constant 0 : i32
      %dma_wait3A_456 = tpu.memref_slice %arg3[%dma_wait3A_454, %dma_wait3A_455] : memref<1000000x64xf32, #tpu.memory_space<hbm>> -> memref<1000000x64xf32, #tpu.memory_space<hbm>>
      tpu.wait_indirect_dma semaphore(%arg7 : memref<!tpu.dma_semaphore, #tpu.memory_space<semaphore_mem>>) src(%dma_wait3A_456 : memref<1000000x64xf32, #tpu.memory_space<hbm>>) dst(%dma_wait3A_450 : memref<128x64xf32, #tpu.memory_space<vmem>>)
      %mul3A_457 = arith.constant 4 : i32
      %mul3A_458 = arith.muli %add3A_411, %mul3A_457 : i32
      %add3A_459 = arith.constant 3 : i32
      %add3A_460 = arith.addi %mul3A_458, %add3A_459 : i32
      %dma_wait3A_461 = arith.constant 7 : i32
      %dma_wait3A_462 = arith.constant 0 : i32
      %dma_wait3A_463 = arith.constant 0 : i32
      %dma_wait3A_464 = tpu.memref_slice %arg6[%dma_wait3A_461, %dma_wait3A_462, %dma_wait3A_463] : memref<8x128x64xf32, #tpu.memory_space<vmem>> -> memref<1x128x64xf32, #tpu.memory_space<vmem>>
      %dma_wait3A_465 = tpu.memref_squeeze %dma_wait3A_464 : memref<1x128x64xf32, #tpu.memory_space<vmem>> -> memref<128x64xf32, #tpu.memory_space<vmem>>
      %dma_wait3A_466 = arith.constant 0 : i32
      %dma_wait3A_467 = tpu.memref_slice %arg5[%add3A_460, %dma_wait3A_466] : memref<200x128xi32, #tpu.memory_space<vmem>> -> memref<1x128xi32, #tpu.memory_space<vmem>>
      %dma_wait3A_468 = tpu.memref_squeeze %dma_wait3A_467 : memref<1x128xi32, #tpu.memory_space<vmem>> -> memref<128xi32, #tpu.memory_space<vmem>>
      %dma_wait3A_469 = arith.constant 0 : i32
      %dma_wait3A_470 = arith.constant 0 : i32
      %dma_wait3A_471 = tpu.memref_slice %arg3[%dma_wait3A_469, %dma_wait3A_470] : memref<1000000x64xf32, #tpu.memory_space<hbm>> -> memref<1000000x64xf32, #tpu.memory_space<hbm>>
      tpu.wait_indirect_dma semaphore(%arg7 : memref<!tpu.dma_semaphore, #tpu.memory_space<semaphore_mem>>) src(%dma_wait3A_471 : memref<1000000x64xf32, #tpu.memory_space<hbm>>) dst(%dma_wait3A_465 : memref<128x64xf32, #tpu.memory_space<vmem>>)
      %scan3A_472 = arith.constant 0 : i32
      %scan3A_473 = arith.constant 0 : i32
      %scan3A_474 = arith.constant 128 : i32
      %scan3A_475 = arith.addi %scan3A_473, %scan3A_474 : i32
      %scan3A_476 = arith.constant 1 : i32
      scf.for %scan3A_481 = %scan3A_473 to %scan3A_475 step %scan3A_476  : i32 {
        %get3A = arith.constant 4 : i32
        %get3A_482 = arith.index_cast %get3A : i32 to index
        %get3A_483 = arith.index_cast %scan3A_481 : i32 to index
        %get3A_484 = arith.constant 0 : index
        %get3A_485 = tpu.vector_load %arg6[%get3A_482, %get3A_483, %get3A_484] {strides = array<i32>} : memref<8x128x64xf32, #tpu.memory_space<vmem>>, vector<1x1x16xf32>,
        %get3A_486 = vector.shape_cast %get3A_485 : vector<1x1x16xf32> to vector<16xf32>
        %mul3A_487 = arith.constant 8.000000e+00 : f32
        %mul3A_488 = vector.broadcast %mul3A_487 : f32 to vector<16xf32>
        %mul3A_489 = arith.mulf %get3A_486, %mul3A_488 : vector<16xf32>
        %swap3A = arith.constant 4 : i32
        %swap3A_490 = arith.index_cast %swap3A : i32 to index
        %swap3A_491 = arith.index_cast %scan3A_481 : i32 to index
        %swap3A_492 = arith.constant 0 : index
        %swap3A_493 = tpu.vector_load %arg6[%swap3A_490, %swap3A_491, %swap3A_492] {strides = array<i32>} : memref<8x128x64xf32, #tpu.memory_space<vmem>>, vector<1x1x16xf32>,
        %swap3A_494 = vector.shape_cast %swap3A_493 : vector<1x1x16xf32> to vector<16xf32>
        %swap3A_495 = vector.shape_cast %mul3A_489 : vector<16xf32> to vector<1x1x16xf32>
        tpu.vector_store %arg6[%swap3A_490, %swap3A_491, %swap3A_492], %swap3A_495 {strides = array<i32>} : memref<8x128x64xf32, #tpu.memory_space<vmem>>, vector<1x1x16xf32>,
        %get3A_496 = arith.constant 4 : i32
        %get3A_497 = arith.index_cast %get3A_496 : i32 to index
        %get3A_498 = arith.index_cast %scan3A_481 : i32 to index
        %get3A_499 = arith.constant 16 : index
        %get3A_500 = tpu.vector_load %arg6[%get3A_497, %get3A_498, %get3A_499] {strides = array<i32>} : memref<8x128x64xf32, #tpu.memory_space<vmem>>, vector<1x1x16xf32>,
        %get3A_501 = vector.shape_cast %get3A_500 : vector<1x1x16xf32> to vector<16xf32>
        %mul3A_502 = arith.constant 8.000000e+00 : f32
        %mul3A_503 = vector.broadcast %mul3A_502 : f32 to vector<16xf32>
        %mul3A_504 = arith.mulf %get3A_501, %mul3A_503 : vector<16xf32>
        %swap3A_505 = arith.constant 4 : i32
        %swap3A_506 = arith.index_cast %swap3A_505 : i32 to index
        %swap3A_507 = arith.index_cast %scan3A_481 : i32 to index
        %swap3A_508 = arith.constant 16 : index
        %swap3A_509 = tpu.vector_load %arg6[%swap3A_506, %swap3A_507, %swap3A_508] {strides = array<i32>} : memref<8x128x64xf32, #tpu.memory_space<vmem>>, vector<1x1x16xf32>,
        %swap3A_510 = vector.shape_cast %swap3A_509 : vector<1x1x16xf32> to vector<16xf32>
        %swap3A_511 = vector.shape_cast %mul3A_504 : vector<16xf32> to vector<1x1x16xf32>
        tpu.vector_store %arg6[%swap3A_506, %swap3A_507, %swap3A_508], %swap3A_511 {strides = array<i32>} : memref<8x128x64xf32, #tpu.memory_space<vmem>>, vector<1x1x16xf32>,
        %get3A_512 = arith.constant 4 : i32
        %get3A_513 = arith.index_cast %get3A_512 : i32 to index
        %get3A_514 = arith.index_cast %scan3A_481 : i32 to index
        %get3A_515 = arith.constant 32 : index
        %get3A_516 = tpu.vector_load %arg6[%get3A_513, %get3A_514, %get3A_515] {strides = array<i32>} : memref<8x128x64xf32, #tpu.memory_space<vmem>>, vector<1x1x16xf32>,
        %get3A_517 = vector.shape_cast %get3A_516 : vector<1x1x16xf32> to vector<16xf32>
        %mul3A_518 = arith.constant 8.000000e+00 : f32
        %mul3A_519 = vector.broadcast %mul3A_518 : f32 to vector<16xf32>
        %mul3A_520 = arith.mulf %get3A_517, %mul3A_519 : vector<16xf32>
        %swap3A_521 = arith.constant 4 : i32
        %swap3A_522 = arith.index_cast %swap3A_521 : i32 to index
        %swap3A_523 = arith.index_cast %scan3A_481 : i32 to index
        %swap3A_524 = arith.constant 32 : index
        %swap3A_525 = tpu.vector_load %arg6[%swap3A_522, %swap3A_523, %swap3A_524] {strides = array<i32>} : memref<8x128x64xf32, #tpu.memory_space<vmem>>, vector<1x1x16xf32>,
        %swap3A_526 = vector.shape_cast %swap3A_525 : vector<1x1x16xf32> to vector<16xf32>
        %swap3A_527 = vector.shape_cast %mul3A_520 : vector<16xf32> to vector<1x1x16xf32>
        tpu.vector_store %arg6[%swap3A_522, %swap3A_523, %swap3A_524], %swap3A_527 {strides = array<i32>} : memref<8x128x64xf32, #tpu.memory_space<vmem>>, vector<1x1x16xf32>,
        %get3A_528 = arith.constant 4 : i32
        %get3A_529 = arith.index_cast %get3A_528 : i32 to index
        %get3A_530 = arith.index_cast %scan3A_481 : i32 to index
        %get3A_531 = arith.constant 48 : index
        %get3A_532 = tpu.vector_load %arg6[%get3A_529, %get3A_530, %get3A_531] {strides = array<i32>} : memref<8x128x64xf32, #tpu.memory_space<vmem>>, vector<1x1x16xf32>,
        %get3A_533 = vector.shape_cast %get3A_532 : vector<1x1x16xf32> to vector<16xf32>
        %mul3A_534 = arith.constant 8.000000e+00 : f32
        %mul3A_535 = vector.broadcast %mul3A_534 : f32 to vector<16xf32>
        %mul3A_536 = arith.mulf %get3A_533, %mul3A_535 : vector<16xf32>
        %swap3A_537 = arith.constant 4 : i32
        %swap3A_538 = arith.index_cast %swap3A_537 : i32 to index
        %swap3A_539 = arith.index_cast %scan3A_481 : i32 to index
        %swap3A_540 = arith.constant 48 : index
        %swap3A_541 = tpu.vector_load %arg6[%swap3A_538, %swap3A_539, %swap3A_540] {strides = array<i32>} : memref<8x128x64xf32, #tpu.memory_space<vmem>>, vector<1x1x16xf32>,
        %swap3A_542 = vector.shape_cast %swap3A_541 : vector<1x1x16xf32> to vector<16xf32>
        %swap3A_543 = vector.shape_cast %mul3A_536 : vector<16xf32> to vector<1x1x16xf32>
        tpu.vector_store %arg6[%swap3A_538, %swap3A_539, %swap3A_540], %swap3A_543 {strides = array<i32>} : memref<8x128x64xf32, #tpu.memory_space<vmem>>, vector<1x1x16xf32>,
        %get3A_544 = arith.constant 5 : i32
        %get3A_545 = arith.index_cast %get3A_544 : i32 to index
        %get3A_546 = arith.index_cast %scan3A_481 : i32 to index
        %get3A_547 = arith.constant 0 : index
        %get3A_548 = tpu.vector_load %arg6[%get3A_545, %get3A_546, %get3A_547] {strides = array<i32>} : memref<8x128x64xf32, #tpu.memory_space<vmem>>, vector<1x1x16xf32>,
        %get3A_549 = vector.shape_cast %get3A_548 : vector<1x1x16xf32> to vector<16xf32>
        %mul3A_550 = arith.constant 8.000000e+00 : f32
        %mul3A_551 = vector.broadcast %mul3A_550 : f32 to vector<16xf32>
        %mul3A_552 = arith.mulf %get3A_549, %mul3A_551 : vector<16xf32>
        %swap3A_553 = arith.constant 5 : i32
        %swap3A_554 = arith.index_cast %swap3A_553 : i32 to index
        %swap3A_555 = arith.index_cast %scan3A_481 : i32 to index
        %swap3A_556 = arith.constant 0 : index
        %swap3A_557 = tpu.vector_load %arg6[%swap3A_554, %swap3A_555, %swap3A_556] {strides = array<i32>} : memref<8x128x64xf32, #tpu.memory_space<vmem>>, vector<1x1x16xf32>,
        %swap3A_558 = vector.shape_cast %swap3A_557 : vector<1x1x16xf32> to vector<16xf32>
        %swap3A_559 = vector.shape_cast %mul3A_552 : vector<16xf32> to vector<1x1x16xf32>
        tpu.vector_store %arg6[%swap3A_554, %swap3A_555, %swap3A_556], %swap3A_559 {strides = array<i32>} : memref<8x128x64xf32, #tpu.memory_space<vmem>>, vector<1x1x16xf32>,
        %get3A_560 = arith.constant 5 : i32
        %get3A_561 = arith.index_cast %get3A_560 : i32 to index
        %get3A_562 = arith.index_cast %scan3A_481 : i32 to index
        %get3A_563 = arith.constant 16 : index
        %get3A_564 = tpu.vector_load %arg6[%get3A_561, %get3A_562, %get3A_563] {strides = array<i32>} : memref<8x128x64xf32, #tpu.memory_space<vmem>>, vector<1x1x16xf32>,
        %get3A_565 = vector.shape_cast %get3A_564 : vector<1x1x16xf32> to vector<16xf32>
        %mul3A_566 = arith.constant 8.000000e+00 : f32
        %mul3A_567 = vector.broadcast %mul3A_566 : f32 to vector<16xf32>
        %mul3A_568 = arith.mulf %get3A_565, %mul3A_567 : vector<16xf32>
        %swap3A_569 = arith.constant 5 : i32
        %swap3A_570 = arith.index_cast %swap3A_569 : i32 to index
        %swap3A_571 = arith.index_cast %scan3A_481 : i32 to index
        %swap3A_572 = arith.constant 16 : index
        %swap3A_573 = tpu.vector_load %arg6[%swap3A_570, %swap3A_571, %swap3A_572] {strides = array<i32>} : memref<8x128x64xf32, #tpu.memory_space<vmem>>, vector<1x1x16xf32>,
        %swap3A_574 = vector.shape_cast %swap3A_573 : vector<1x1x16xf32> to vector<16xf32>
        %swap3A_575 = vector.shape_cast %mul3A_568 : vector<16xf32> to vector<1x1x16xf32>
        tpu.vector_store %arg6[%swap3A_570, %swap3A_571, %swap3A_572], %swap3A_575 {strides = array<i32>} : memref<8x128x64xf32, #tpu.memory_space<vmem>>, vector<1x1x16xf32>,
        %get3A_576 = arith.constant 5 : i32
        %get3A_577 = arith.index_cast %get3A_576 : i32 to index
        %get3A_578 = arith.index_cast %scan3A_481 : i32 to index
        %get3A_579 = arith.constant 32 : index
        %get3A_580 = tpu.vector_load %arg6[%get3A_577, %get3A_578, %get3A_579] {strides = array<i32>} : memref<8x128x64xf32, #tpu.memory_space<vmem>>, vector<1x1x16xf32>,
        %get3A_581 = vector.shape_cast %get3A_580 : vector<1x1x16xf32> to vector<16xf32>
        %mul3A_582 = arith.constant 8.000000e+00 : f32
        %mul3A_583 = vector.broadcast %mul3A_582 : f32 to vector<16xf32>
        %mul3A_584 = arith.mulf %get3A_581, %mul3A_583 : vector<16xf32>
        %swap3A_585 = arith.constant 5 : i32
        %swap3A_586 = arith.index_cast %swap3A_585 : i32 to index
        %swap3A_587 = arith.index_cast %scan3A_481 : i32 to index
        %swap3A_588 = arith.constant 32 : index
        %swap3A_589 = tpu.vector_load %arg6[%swap3A_586, %swap3A_587, %swap3A_588] {strides = array<i32>} : memref<8x128x64xf32, #tpu.memory_space<vmem>>, vector<1x1x16xf32>,
        %swap3A_590 = vector.shape_cast %swap3A_589 : vector<1x1x16xf32> to vector<16xf32>
        %swap3A_591 = vector.shape_cast %mul3A_584 : vector<16xf32> to vector<1x1x16xf32>
        tpu.vector_store %arg6[%swap3A_586, %swap3A_587, %swap3A_588], %swap3A_591 {strides = array<i32>} : memref<8x128x64xf32, #tpu.memory_space<vmem>>, vector<1x1x16xf32>,
        %get3A_592 = arith.constant 5 : i32
        %get3A_593 = arith.index_cast %get3A_592 : i32 to index
        %get3A_594 = arith.index_cast %scan3A_481 : i32 to index
        %get3A_595 = arith.constant 48 : index
        %get3A_596 = tpu.vector_load %arg6[%get3A_593, %get3A_594, %get3A_595] {strides = array<i32>} : memref<8x128x64xf32, #tpu.memory_space<vmem>>, vector<1x1x16xf32>,
        %get3A_597 = vector.shape_cast %get3A_596 : vector<1x1x16xf32> to vector<16xf32>
        %mul3A_598 = arith.constant 8.000000e+00 : f32
        %mul3A_599 = vector.broadcast %mul3A_598 : f32 to vector<16xf32>
        %mul3A_600 = arith.mulf %get3A_597, %mul3A_599 : vector<16xf32>
        %swap3A_601 = arith.constant 5 : i32
        %swap3A_602 = arith.index_cast %swap3A_601 : i32 to index
        %swap3A_603 = arith.index_cast %scan3A_481 : i32 to index
        %swap3A_604 = arith.constant 48 : index
        %swap3A_605 = tpu.vector_load %arg6[%swap3A_602, %swap3A_603, %swap3A_604] {strides = array<i32>} : memref<8x128x64xf32, #tpu.memory_space<vmem>>, vector<1x1x16xf32>,
        %swap3A_606 = vector.shape_cast %swap3A_605 : vector<1x1x16xf32> to vector<16xf32>
        %swap3A_607 = vector.shape_cast %mul3A_600 : vector<16xf32> to vector<1x1x16xf32>
        tpu.vector_store %arg6[%swap3A_602, %swap3A_603, %swap3A_604], %swap3A_607 {strides = array<i32>} : memref<8x128x64xf32, #tpu.memory_space<vmem>>, vector<1x1x16xf32>,
        %get3A_608 = arith.constant 6 : i32
        %get3A_609 = arith.index_cast %get3A_608 : i32 to index
        %get3A_610 = arith.index_cast %scan3A_481 : i32 to index
        %get3A_611 = arith.constant 0 : index
        %get3A_612 = tpu.vector_load %arg6[%get3A_609, %get3A_610, %get3A_611] {strides = array<i32>} : memref<8x128x64xf32, #tpu.memory_space<vmem>>, vector<1x1x16xf32>,
        %get3A_613 = vector.shape_cast %get3A_612 : vector<1x1x16xf32> to vector<16xf32>
        %mul3A_614 = arith.constant 8.000000e+00 : f32
        %mul3A_615 = vector.broadcast %mul3A_614 : f32 to vector<16xf32>
        %mul3A_616 = arith.mulf %get3A_613, %mul3A_615 : vector<16xf32>
        %swap3A_617 = arith.constant 6 : i32
        %swap3A_618 = arith.index_cast %swap3A_617 : i32 to index
        %swap3A_619 = arith.index_cast %scan3A_481 : i32 to index
        %swap3A_620 = arith.constant 0 : index
        %swap3A_621 = tpu.vector_load %arg6[%swap3A_618, %swap3A_619, %swap3A_620] {strides = array<i32>} : memref<8x128x64xf32, #tpu.memory_space<vmem>>, vector<1x1x16xf32>,
        %swap3A_622 = vector.shape_cast %swap3A_621 : vector<1x1x16xf32> to vector<16xf32>
        %swap3A_623 = vector.shape_cast %mul3A_616 : vector<16xf32> to vector<1x1x16xf32>
        tpu.vector_store %arg6[%swap3A_618, %swap3A_619, %swap3A_620], %swap3A_623 {strides = array<i32>} : memref<8x128x64xf32, #tpu.memory_space<vmem>>, vector<1x1x16xf32>,
        %get3A_624 = arith.constant 6 : i32
        %get3A_625 = arith.index_cast %get3A_624 : i32 to index
        %get3A_626 = arith.index_cast %scan3A_481 : i32 to index
        %get3A_627 = arith.constant 16 : index
        %get3A_628 = tpu.vector_load %arg6[%get3A_625, %get3A_626, %get3A_627] {strides = array<i32>} : memref<8x128x64xf32, #tpu.memory_space<vmem>>, vector<1x1x16xf32>,
        %get3A_629 = vector.shape_cast %get3A_628 : vector<1x1x16xf32> to vector<16xf32>
        %mul3A_630 = arith.constant 8.000000e+00 : f32
        %mul3A_631 = vector.broadcast %mul3A_630 : f32 to vector<16xf32>
        %mul3A_632 = arith.mulf %get3A_629, %mul3A_631 : vector<16xf32>
        %swap3A_633 = arith.constant 6 : i32
        %swap3A_634 = arith.index_cast %swap3A_633 : i32 to index
        %swap3A_635 = arith.index_cast %scan3A_481 : i32 to index
        %swap3A_636 = arith.constant 16 : index
        %swap3A_637 = tpu.vector_load %arg6[%swap3A_634, %swap3A_635, %swap3A_636] {strides = array<i32>} : memref<8x128x64xf32, #tpu.memory_space<vmem>>, vector<1x1x16xf32>,
        %swap3A_638 = vector.shape_cast %swap3A_637 : vector<1x1x16xf32> to vector<16xf32>
        %swap3A_639 = vector.shape_cast %mul3A_632 : vector<16xf32> to vector<1x1x16xf32>
        tpu.vector_store %arg6[%swap3A_634, %swap3A_635, %swap3A_636], %swap3A_639 {strides = array<i32>} : memref<8x128x64xf32, #tpu.memory_space<vmem>>, vector<1x1x16xf32>,
        %get3A_640 = arith.constant 6 : i32
        %get3A_641 = arith.index_cast %get3A_640 : i32 to index
        %get3A_642 = arith.index_cast %scan3A_481 : i32 to index
        %get3A_643 = arith.constant 32 : index
        %get3A_644 = tpu.vector_load %arg6[%get3A_641, %get3A_642, %get3A_643] {strides = array<i32>} : memref<8x128x64xf32, #tpu.memory_space<vmem>>, vector<1x1x16xf32>,
        %get3A_645 = vector.shape_cast %get3A_644 : vector<1x1x16xf32> to vector<16xf32>
        %mul3A_646 = arith.constant 8.000000e+00 : f32
        %mul3A_647 = vector.broadcast %mul3A_646 : f32 to vector<16xf32>
        %mul3A_648 = arith.mulf %get3A_645, %mul3A_647 : vector<16xf32>
        %swap3A_649 = arith.constant 6 : i32
        %swap3A_650 = arith.index_cast %swap3A_649 : i32 to index
        %swap3A_651 = arith.index_cast %scan3A_481 : i32 to index
        %swap3A_652 = arith.constant 32 : index
        %swap3A_653 = tpu.vector_load %arg6[%swap3A_650, %swap3A_651, %swap3A_652] {strides = array<i32>} : memref<8x128x64xf32, #tpu.memory_space<vmem>>, vector<1x1x16xf32>,
        %swap3A_654 = vector.shape_cast %swap3A_653 : vector<1x1x16xf32> to vector<16xf32>
        %swap3A_655 = vector.shape_cast %mul3A_648 : vector<16xf32> to vector<1x1x16xf32>
        tpu.vector_store %arg6[%swap3A_650, %swap3A_651, %swap3A_652], %swap3A_655 {strides = array<i32>} : memref<8x128x64xf32, #tpu.memory_space<vmem>>, vector<1x1x16xf32>,
        %get3A_656 = arith.constant 6 : i32
        %get3A_657 = arith.index_cast %get3A_656 : i32 to index
        %get3A_658 = arith.index_cast %scan3A_481 : i32 to index
        %get3A_659 = arith.constant 48 : index
        %get3A_660 = tpu.vector_load %arg6[%get3A_657, %get3A_658, %get3A_659] {strides = array<i32>} : memref<8x128x64xf32, #tpu.memory_space<vmem>>, vector<1x1x16xf32>,
        %get3A_661 = vector.shape_cast %get3A_660 : vector<1x1x16xf32> to vector<16xf32>
        %mul3A_662 = arith.constant 8.000000e+00 : f32
        %mul3A_663 = vector.broadcast %mul3A_662 : f32 to vector<16xf32>
        %mul3A_664 = arith.mulf %get3A_661, %mul3A_663 : vector<16xf32>
        %swap3A_665 = arith.constant 6 : i32
        %swap3A_666 = arith.index_cast %swap3A_665 : i32 to index
        %swap3A_667 = arith.index_cast %scan3A_481 : i32 to index
        %swap3A_668 = arith.constant 48 : index
        %swap3A_669 = tpu.vector_load %arg6[%swap3A_666, %swap3A_667, %swap3A_668] {strides = array<i32>} : memref<8x128x64xf32, #tpu.memory_space<vmem>>, vector<1x1x16xf32>,
        %swap3A_670 = vector.shape_cast %swap3A_669 : vector<1x1x16xf32> to vector<16xf32>
        %swap3A_671 = vector.shape_cast %mul3A_664 : vector<16xf32> to vector<1x1x16xf32>
        tpu.vector_store %arg6[%swap3A_666, %swap3A_667, %swap3A_668], %swap3A_671 {strides = array<i32>} : memref<8x128x64xf32, #tpu.memory_space<vmem>>, vector<1x1x16xf32>,
        %get3A_672 = arith.constant 7 : i32
        %get3A_673 = arith.index_cast %get3A_672 : i32 to index
        %get3A_674 = arith.index_cast %scan3A_481 : i32 to index
        %get3A_675 = arith.constant 0 : index
        %get3A_676 = tpu.vector_load %arg6[%get3A_673, %get3A_674, %get3A_675] {strides = array<i32>} : memref<8x128x64xf32, #tpu.memory_space<vmem>>, vector<1x1x16xf32>,
        %get3A_677 = vector.shape_cast %get3A_676 : vector<1x1x16xf32> to vector<16xf32>
        %mul3A_678 = arith.constant 8.000000e+00 : f32
        %mul3A_679 = vector.broadcast %mul3A_678 : f32 to vector<16xf32>
        %mul3A_680 = arith.mulf %get3A_677, %mul3A_679 : vector<16xf32>
        %swap3A_681 = arith.constant 7 : i32
        %swap3A_682 = arith.index_cast %swap3A_681 : i32 to index
        %swap3A_683 = arith.index_cast %scan3A_481 : i32 to index
        %swap3A_684 = arith.constant 0 : index
        %swap3A_685 = tpu.vector_load %arg6[%swap3A_682, %swap3A_683, %swap3A_684] {strides = array<i32>} : memref<8x128x64xf32, #tpu.memory_space<vmem>>, vector<1x1x16xf32>,
        %swap3A_686 = vector.shape_cast %swap3A_685 : vector<1x1x16xf32> to vector<16xf32>
        %swap3A_687 = vector.shape_cast %mul3A_680 : vector<16xf32> to vector<1x1x16xf32>
        tpu.vector_store %arg6[%swap3A_682, %swap3A_683, %swap3A_684], %swap3A_687 {strides = array<i32>} : memref<8x128x64xf32, #tpu.memory_space<vmem>>, vector<1x1x16xf32>,
        %get3A_688 = arith.constant 7 : i32
        %get3A_689 = arith.index_cast %get3A_688 : i32 to index
        %get3A_690 = arith.index_cast %scan3A_481 : i32 to index
        %get3A_691 = arith.constant 16 : index
        %get3A_692 = tpu.vector_load %arg6[%get3A_689, %get3A_690, %get3A_691] {strides = array<i32>} : memref<8x128x64xf32, #tpu.memory_space<vmem>>, vector<1x1x16xf32>,
        %get3A_693 = vector.shape_cast %get3A_692 : vector<1x1x16xf32> to vector<16xf32>
        %mul3A_694 = arith.constant 8.000000e+00 : f32
        %mul3A_695 = vector.broadcast %mul3A_694 : f32 to vector<16xf32>
        %mul3A_696 = arith.mulf %get3A_693, %mul3A_695 : vector<16xf32>
        %swap3A_697 = arith.constant 7 : i32
        %swap3A_698 = arith.index_cast %swap3A_697 : i32 to index
        %swap3A_699 = arith.index_cast %scan3A_481 : i32 to index
        %swap3A_700 = arith.constant 16 : index
        %swap3A_701 = tpu.vector_load %arg6[%swap3A_698, %swap3A_699, %swap3A_700] {strides = array<i32>} : memref<8x128x64xf32, #tpu.memory_space<vmem>>, vector<1x1x16xf32>,
        %swap3A_702 = vector.shape_cast %swap3A_701 : vector<1x1x16xf32> to vector<16xf32>
        %swap3A_703 = vector.shape_cast %mul3A_696 : vector<16xf32> to vector<1x1x16xf32>
        tpu.vector_store %arg6[%swap3A_698, %swap3A_699, %swap3A_700], %swap3A_703 {strides = array<i32>} : memref<8x128x64xf32, #tpu.memory_space<vmem>>, vector<1x1x16xf32>,
        %get3A_704 = arith.constant 7 : i32
        %get3A_705 = arith.index_cast %get3A_704 : i32 to index
        %get3A_706 = arith.index_cast %scan3A_481 : i32 to index
        %get3A_707 = arith.constant 32 : index
        %get3A_708 = tpu.vector_load %arg6[%get3A_705, %get3A_706, %get3A_707] {strides = array<i32>} : memref<8x128x64xf32, #tpu.memory_space<vmem>>, vector<1x1x16xf32>,
        %get3A_709 = vector.shape_cast %get3A_708 : vector<1x1x16xf32> to vector<16xf32>
        %mul3A_710 = arith.constant 8.000000e+00 : f32
        %mul3A_711 = vector.broadcast %mul3A_710 : f32 to vector<16xf32>
        %mul3A_712 = arith.mulf %get3A_709, %mul3A_711 : vector<16xf32>
        %swap3A_713 = arith.constant 7 : i32
        %swap3A_714 = arith.index_cast %swap3A_713 : i32 to index
        %swap3A_715 = arith.index_cast %scan3A_481 : i32 to index
        %swap3A_716 = arith.constant 32 : index
        %swap3A_717 = tpu.vector_load %arg6[%swap3A_714, %swap3A_715, %swap3A_716] {strides = array<i32>} : memref<8x128x64xf32, #tpu.memory_space<vmem>>, vector<1x1x16xf32>,
        %swap3A_718 = vector.shape_cast %swap3A_717 : vector<1x1x16xf32> to vector<16xf32>
        %swap3A_719 = vector.shape_cast %mul3A_712 : vector<16xf32> to vector<1x1x16xf32>
        tpu.vector_store %arg6[%swap3A_714, %swap3A_715, %swap3A_716], %swap3A_719 {strides = array<i32>} : memref<8x128x64xf32, #tpu.memory_space<vmem>>, vector<1x1x16xf32>,
        %get3A_720 = arith.constant 7 : i32
        %get3A_721 = arith.index_cast %get3A_720 : i32 to index
        %get3A_722 = arith.index_cast %scan3A_481 : i32 to index
        %get3A_723 = arith.constant 48 : index
        %get3A_724 = tpu.vector_load %arg6[%get3A_721, %get3A_722, %get3A_723] {strides = array<i32>} : memref<8x128x64xf32, #tpu.memory_space<vmem>>, vector<1x1x16xf32>,
        %get3A_725 = vector.shape_cast %get3A_724 : vector<1x1x16xf32> to vector<16xf32>
        %mul3A_726 = arith.constant 8.000000e+00 : f32
        %mul3A_727 = vector.broadcast %mul3A_726 : f32 to vector<16xf32>
        %mul3A_728 = arith.mulf %get3A_725, %mul3A_727 : vector<16xf32>
        %swap3A_729 = arith.constant 7 : i32
        %swap3A_730 = arith.index_cast %swap3A_729 : i32 to index
        %swap3A_731 = arith.index_cast %scan3A_481 : i32 to index
        %swap3A_732 = arith.constant 48 : index
        %swap3A_733 = tpu.vector_load %arg6[%swap3A_730, %swap3A_731, %swap3A_732] {strides = array<i32>} : memref<8x128x64xf32, #tpu.memory_space<vmem>>, vector<1x1x16xf32>,
        %swap3A_734 = vector.shape_cast %swap3A_733 : vector<1x1x16xf32> to vector<16xf32>
        %swap3A_735 = vector.shape_cast %mul3A_728 : vector<16xf32> to vector<1x1x16xf32>
        tpu.vector_store %arg6[%swap3A_730, %swap3A_731, %swap3A_732], %swap3A_735 {strides = array<i32>} : memref<8x128x64xf32, #tpu.memory_space<vmem>>, vector<1x1x16xf32>,
      }
      %scan3A_477 = arith.constant 128 : i32
      %mul3A_478 = arith.constant 4 : i32
      %mul3A_479 = arith.muli %add3A_411, %mul3A_478 : i32
      %add3A_480 = arith.addi %mul3A_2, %mul3A_479 : i32
      "tpu.region"() ({
        %run_scoped3A = tpu.sem_alloc : memref<!tpu.dma_semaphore, #tpu.memory_space<semaphore_mem>>
        %dma_start3A_481 = arith.constant 4 : i32
        %dma_start3A_482 = arith.constant 0 : i32
        %dma_start3A_483 = arith.constant 0 : i32
        %dma_start3A_484 = tpu.memref_slice %arg6[%dma_start3A_481, %dma_start3A_482, %dma_start3A_483] : memref<8x128x64xf32, #tpu.memory_space<vmem>> -> memref<4x128x64xf32, #tpu.memory_space<vmem>>
        %dma_start3A_485 = arith.constant 0 : i32
        %dma_start3A_486 = arith.constant 0 : i32
        %dma_start3A_487 = tpu.memref_slice %arg4[%add3A_480, %dma_start3A_485, %dma_start3A_486] : memref<6400x128x64xf32, #tpu.memory_space<hbm>> -> memref<4x128x64xf32, #tpu.memory_space<hbm>>
        %dma_start3A_488 = arith.constant 0 : i32
        %dma_start3A_489 = arith.constant 0 : i32
        %dma_start3A_490 = tpu.memref_slice %arg4[%add3A_480, %dma_start3A_488, %dma_start3A_489] : memref<6400x128x64xf32, #tpu.memory_space<hbm>> -> memref<4x128x64xf32, #tpu.memory_space<hbm>>
        %dma_start3A_491 = arith.constant 4 : i32
        %dma_start3A_492 = arith.constant 0 : i32
        %dma_start3A_493 = arith.constant 0 : i32
        %dma_start3A_494 = tpu.memref_slice %arg6[%dma_start3A_491, %dma_start3A_492, %dma_start3A_493] : memref<8x128x64xf32, #tpu.memory_space<vmem>> -> memref<4x128x64xf32, #tpu.memory_space<vmem>>
        tpu.enqueue_dma source(%dma_start3A_494 : memref<4x128x64xf32, #tpu.memory_space<vmem>>) target(%dma_start3A_490 : memref<4x128x64xf32, #tpu.memory_space<hbm>>) target_semaphore(%run_scoped3A : memref<!tpu.dma_semaphore, #tpu.memory_space<semaphore_mem>>)
        %dma_wait3A_495 = arith.constant 4 : i32
        %dma_wait3A_496 = arith.constant 0 : i32
        %dma_wait3A_497 = arith.constant 0 : i32
        %dma_wait3A_498 = tpu.memref_slice %arg6[%dma_wait3A_495, %dma_wait3A_496, %dma_wait3A_497] : memref<8x128x64xf32, #tpu.memory_space<vmem>> -> memref<4x128x64xf32, #tpu.memory_space<vmem>>
        %dma_wait3A_499 = arith.constant 0 : i32
        %dma_wait3A_500 = arith.constant 0 : i32
        %dma_wait3A_501 = tpu.memref_slice %arg4[%add3A_480, %dma_wait3A_499, %dma_wait3A_500] : memref<6400x128x64xf32, #tpu.memory_space<hbm>> -> memref<4x128x64xf32, #tpu.memory_space<hbm>>
        %dma_wait3A_502 = arith.constant 0 : i32
        %dma_wait3A_503 = arith.constant 0 : i32
        %dma_wait3A_504 = tpu.memref_slice %arg4[%add3A_480, %dma_wait3A_502, %dma_wait3A_503] : memref<6400x128x64xf32, #tpu.memory_space<hbm>> -> memref<4x128x64xf32, #tpu.memory_space<hbm>>
        %dma_wait3A_505 = arith.constant 4 : i32
        %dma_wait3A_506 = arith.constant 0 : i32
        %dma_wait3A_507 = arith.constant 0 : i32
        %dma_wait3A_508 = tpu.memref_slice %arg6[%dma_wait3A_505, %dma_wait3A_506, %dma_wait3A_507] : memref<8x128x64xf32, #tpu.memory_space<vmem>> -> memref<4x128x64xf32, #tpu.memory_space<vmem>>
        tpu.wait_dma2 semaphore(%run_scoped3A : memref<!tpu.dma_semaphore, #tpu.memory_space<semaphore_mem>>) src(%dma_wait3A_508 : memref<4x128x64xf32, #tpu.memory_space<vmem>>) dst(%dma_wait3A_504 : memref<4x128x64xf32, #tpu.memory_space<hbm>>)
        tpu.yield
      }) : () -> ()
    }
    %scan3A_54 = arith.constant 24 : i32
    %dma_start3A_55 = arith.constant 196 : i32
    %dma_start3A_56 = arith.constant 4 : i32
    %dma_start3A_57 = arith.constant 0 : i32
    %dma_start3A_58 = arith.constant 0 : i32
    %dma_start3A_59 = tpu.memref_slice %arg6[%dma_start3A_56, %dma_start3A_57, %dma_start3A_58] : memref<8x128x64xf32, #tpu.memory_space<vmem>> -> memref<1x128x64xf32, #tpu.memory_space<vmem>>
    %dma_start3A_60 = tpu.memref_squeeze %dma_start3A_59 : memref<1x128x64xf32, #tpu.memory_space<vmem>> -> memref<128x64xf32, #tpu.memory_space<vmem>>
    %dma_start3A_61 = arith.constant 0 : i32
    %dma_start3A_62 = tpu.memref_slice %arg5[%dma_start3A_55, %dma_start3A_61] : memref<200x128xi32, #tpu.memory_space<vmem>> -> memref<1x128xi32, #tpu.memory_space<vmem>>
    %dma_start3A_63 = tpu.memref_squeeze %dma_start3A_62 : memref<1x128xi32, #tpu.memory_space<vmem>> -> memref<128xi32, #tpu.memory_space<vmem>>
    %dma_start3A_64 = arith.constant 0 : i32
    %dma_start3A_65 = arith.constant 0 : i32
    %dma_start3A_66 = tpu.memref_slice %arg3[%dma_start3A_64, %dma_start3A_65] : memref<1000000x64xf32, #tpu.memory_space<hbm>> -> memref<1000000x64xf32, #tpu.memory_space<hbm>>
    tpu.enqueue_indirect_dma source(%dma_start3A_66 : memref<1000000x64xf32, #tpu.memory_space<hbm>>) target(%dma_start3A_60 : memref<128x64xf32, #tpu.memory_space<vmem>>) offsets(%dma_start3A_63 : memref<128xi32, #tpu.memory_space<vmem>>) semaphore(%arg7 : memref<!tpu.dma_semaphore, #tpu.memory_space<semaphore_mem>>)
    %dma_start3A_67 = arith.constant 197 : i32
    %dma_start3A_68 = arith.constant 5 : i32
    %dma_start3A_69 = arith.constant 0 : i32
    %dma_start3A_70 = arith.constant 0 : i32
    %dma_start3A_71 = tpu.memref_slice %arg6[%dma_start3A_68, %dma_start3A_69, %dma_start3A_70] : memref<8x128x64xf32, #tpu.memory_space<vmem>> -> memref<1x128x64xf32, #tpu.memory_space<vmem>>
    %dma_start3A_72 = tpu.memref_squeeze %dma_start3A_71 : memref<1x128x64xf32, #tpu.memory_space<vmem>> -> memref<128x64xf32, #tpu.memory_space<vmem>>
    %dma_start3A_73 = arith.constant 0 : i32
    %dma_start3A_74 = tpu.memref_slice %arg5[%dma_start3A_67, %dma_start3A_73] : memref<200x128xi32, #tpu.memory_space<vmem>> -> memref<1x128xi32, #tpu.memory_space<vmem>>
    %dma_start3A_75 = tpu.memref_squeeze %dma_start3A_74 : memref<1x128xi32, #tpu.memory_space<vmem>> -> memref<128xi32, #tpu.memory_space<vmem>>
    %dma_start3A_76 = arith.constant 0 : i32
    %dma_start3A_77 = arith.constant 0 : i32
    %dma_start3A_78 = tpu.memref_slice %arg3[%dma_start3A_76, %dma_start3A_77] : memref<1000000x64xf32, #tpu.memory_space<hbm>> -> memref<1000000x64xf32, #tpu.memory_space<hbm>>
    tpu.enqueue_indirect_dma source(%dma_start3A_78 : memref<1000000x64xf32, #tpu.memory_space<hbm>>) target(%dma_start3A_72 : memref<128x64xf32, #tpu.memory_space<vmem>>) offsets(%dma_start3A_75 : memref<128xi32, #tpu.memory_space<vmem>>) semaphore(%arg7 : memref<!tpu.dma_semaphore, #tpu.memory_space<semaphore_mem>>)
    %dma_start3A_79 = arith.constant 198 : i32
    %dma_start3A_80 = arith.constant 6 : i32
    %dma_start3A_81 = arith.constant 0 : i32
    %dma_start3A_82 = arith.constant 0 : i32
    %dma_start3A_83 = tpu.memref_slice %arg6[%dma_start3A_80, %dma_start3A_81, %dma_start3A_82] : memref<8x128x64xf32, #tpu.memory_space<vmem>> -> memref<1x128x64xf32, #tpu.memory_space<vmem>>
    %dma_start3A_84 = tpu.memref_squeeze %dma_start3A_83 : memref<1x128x64xf32, #tpu.memory_space<vmem>> -> memref<128x64xf32, #tpu.memory_space<vmem>>
    %dma_start3A_85 = arith.constant 0 : i32
    %dma_start3A_86 = tpu.memref_slice %arg5[%dma_start3A_79, %dma_start3A_85] : memref<200x128xi32, #tpu.memory_space<vmem>> -> memref<1x128xi32, #tpu.memory_space<vmem>>
    %dma_start3A_87 = tpu.memref_squeeze %dma_start3A_86 : memref<1x128xi32, #tpu.memory_space<vmem>> -> memref<128xi32, #tpu.memory_space<vmem>>
    %dma_start3A_88 = arith.constant 0 : i32
    %dma_start3A_89 = arith.constant 0 : i32
    %dma_start3A_90 = tpu.memref_slice %arg3[%dma_start3A_88, %dma_start3A_89] : memref<1000000x64xf32, #tpu.memory_space<hbm>> -> memref<1000000x64xf32, #tpu.memory_space<hbm>>
    tpu.enqueue_indirect_dma source(%dma_start3A_90 : memref<1000000x64xf32, #tpu.memory_space<hbm>>) target(%dma_start3A_84 : memref<128x64xf32, #tpu.memory_space<vmem>>) offsets(%dma_start3A_87 : memref<128xi32, #tpu.memory_space<vmem>>) semaphore(%arg7 : memref<!tpu.dma_semaphore, #tpu.memory_space<semaphore_mem>>)
    %dma_start3A_91 = arith.constant 199 : i32
    %dma_start3A_92 = arith.constant 7 : i32
    %dma_start3A_93 = arith.constant 0 : i32
    %dma_start3A_94 = arith.constant 0 : i32
    %dma_start3A_95 = tpu.memref_slice %arg6[%dma_start3A_92, %dma_start3A_93, %dma_start3A_94] : memref<8x128x64xf32, #tpu.memory_space<vmem>> -> memref<1x128x64xf32, #tpu.memory_space<vmem>>
    %dma_start3A_96 = tpu.memref_squeeze %dma_start3A_95 : memref<1x128x64xf32, #tpu.memory_space<vmem>> -> memref<128x64xf32, #tpu.memory_space<vmem>>
    %dma_start3A_97 = arith.constant 0 : i32
    %dma_start3A_98 = tpu.memref_slice %arg5[%dma_start3A_91, %dma_start3A_97] : memref<200x128xi32, #tpu.memory_space<vmem>> -> memref<1x128xi32, #tpu.memory_space<vmem>>
    %dma_start3A_99 = tpu.memref_squeeze %dma_start3A_98 : memref<1x128xi32, #tpu.memory_space<vmem>> -> memref<128xi32, #tpu.memory_space<vmem>>
    %dma_start3A_100 = arith.constant 0 : i32
    %dma_start3A_101 = arith.constant 0 : i32
    %dma_start3A_102 = tpu.memref_slice %arg3[%dma_start3A_100, %dma_start3A_101] : memref<1000000x64xf32, #tpu.memory_space<hbm>> -> memref<1000000x64xf32, #tpu.memory_space<hbm>>
    tpu.enqueue_indirect_dma source(%dma_start3A_102 : memref<1000000x64xf32, #tpu.memory_space<hbm>>) target(%dma_start3A_96 : memref<128x64xf32, #tpu.memory_space<vmem>>) offsets(%dma_start3A_99 : memref<128xi32, #tpu.memory_space<vmem>>) semaphore(%arg7 : memref<!tpu.dma_semaphore, #tpu.memory_space<semaphore_mem>>)
    %dma_wait3A = arith.constant 192 : i32
    %dma_wait3A_103 = arith.constant 0 : i32
    %dma_wait3A_104 = arith.constant 0 : i32
    %dma_wait3A_105 = arith.constant 0 : i32
    %dma_wait3A_106 = tpu.memref_slice %arg6[%dma_wait3A_103, %dma_wait3A_104, %dma_wait3A_105] : memref<8x128x64xf32, #tpu.memory_space<vmem>> -> memref<1x128x64xf32, #tpu.memory_space<vmem>>
    %dma_wait3A_107 = tpu.memref_squeeze %dma_wait3A_106 : memref<1x128x64xf32, #tpu.memory_space<vmem>> -> memref<128x64xf32, #tpu.memory_space<vmem>>
    %dma_wait3A_108 = arith.constant 0 : i32
    %dma_wait3A_109 = tpu.memref_slice %arg5[%dma_wait3A, %dma_wait3A_108] : memref<200x128xi32, #tpu.memory_space<vmem>> -> memref<1x128xi32, #tpu.memory_space<vmem>>
    %dma_wait3A_110 = tpu.memref_squeeze %dma_wait3A_109 : memref<1x128xi32, #tpu.memory_space<vmem>> -> memref<128xi32, #tpu.memory_space<vmem>>
    %dma_wait3A_111 = arith.constant 0 : i32
    %dma_wait3A_112 = arith.constant 0 : i32
    %dma_wait3A_113 = tpu.memref_slice %arg3[%dma_wait3A_111, %dma_wait3A_112] : memref<1000000x64xf32, #tpu.memory_space<hbm>> -> memref<1000000x64xf32, #tpu.memory_space<hbm>>
    tpu.wait_indirect_dma semaphore(%arg7 : memref<!tpu.dma_semaphore, #tpu.memory_space<semaphore_mem>>) src(%dma_wait3A_113 : memref<1000000x64xf32, #tpu.memory_space<hbm>>) dst(%dma_wait3A_107 : memref<128x64xf32, #tpu.memory_space<vmem>>)
    %dma_wait3A_114 = arith.constant 193 : i32
    %dma_wait3A_115 = arith.constant 1 : i32
    %dma_wait3A_116 = arith.constant 0 : i32
    %dma_wait3A_117 = arith.constant 0 : i32
    %dma_wait3A_118 = tpu.memref_slice %arg6[%dma_wait3A_115, %dma_wait3A_116, %dma_wait3A_117] : memref<8x128x64xf32, #tpu.memory_space<vmem>> -> memref<1x128x64xf32, #tpu.memory_space<vmem>>
    %dma_wait3A_119 = tpu.memref_squeeze %dma_wait3A_118 : memref<1x128x64xf32, #tpu.memory_space<vmem>> -> memref<128x64xf32, #tpu.memory_space<vmem>>
    %dma_wait3A_120 = arith.constant 0 : i32
    %dma_wait3A_121 = tpu.memref_slice %arg5[%dma_wait3A_114, %dma_wait3A_120] : memref<200x128xi32, #tpu.memory_space<vmem>> -> memref<1x128xi32, #tpu.memory_space<vmem>>
    %dma_wait3A_122 = tpu.memref_squeeze %dma_wait3A_121 : memref<1x128xi32, #tpu.memory_space<vmem>> -> memref<128xi32, #tpu.memory_space<vmem>>
    %dma_wait3A_123 = arith.constant 0 : i32
    %dma_wait3A_124 = arith.constant 0 : i32
    %dma_wait3A_125 = tpu.memref_slice %arg3[%dma_wait3A_123, %dma_wait3A_124] : memref<1000000x64xf32, #tpu.memory_space<hbm>> -> memref<1000000x64xf32, #tpu.memory_space<hbm>>
    tpu.wait_indirect_dma semaphore(%arg7 : memref<!tpu.dma_semaphore, #tpu.memory_space<semaphore_mem>>) src(%dma_wait3A_125 : memref<1000000x64xf32, #tpu.memory_space<hbm>>) dst(%dma_wait3A_119 : memref<128x64xf32, #tpu.memory_space<vmem>>)
    %dma_wait3A_126 = arith.constant 194 : i32
    %dma_wait3A_127 = arith.constant 2 : i32
    %dma_wait3A_128 = arith.constant 0 : i32
    %dma_wait3A_129 = arith.constant 0 : i32
    %dma_wait3A_130 = tpu.memref_slice %arg6[%dma_wait3A_127, %dma_wait3A_128, %dma_wait3A_129] : memref<8x128x64xf32, #tpu.memory_space<vmem>> -> memref<1x128x64xf32, #tpu.memory_space<vmem>>
    %dma_wait3A_131 = tpu.memref_squeeze %dma_wait3A_130 : memref<1x128x64xf32, #tpu.memory_space<vmem>> -> memref<128x64xf32, #tpu.memory_space<vmem>>
    %dma_wait3A_132 = arith.constant 0 : i32
    %dma_wait3A_133 = tpu.memref_slice %arg5[%dma_wait3A_126, %dma_wait3A_132] : memref<200x128xi32, #tpu.memory_space<vmem>> -> memref<1x128xi32, #tpu.memory_space<vmem>>
    %dma_wait3A_134 = tpu.memref_squeeze %dma_wait3A_133 : memref<1x128xi32, #tpu.memory_space<vmem>> -> memref<128xi32, #tpu.memory_space<vmem>>
    %dma_wait3A_135 = arith.constant 0 : i32
    %dma_wait3A_136 = arith.constant 0 : i32
    %dma_wait3A_137 = tpu.memref_slice %arg3[%dma_wait3A_135, %dma_wait3A_136] : memref<1000000x64xf32, #tpu.memory_space<hbm>> -> memref<1000000x64xf32, #tpu.memory_space<hbm>>
    tpu.wait_indirect_dma semaphore(%arg7 : memref<!tpu.dma_semaphore, #tpu.memory_space<semaphore_mem>>) src(%dma_wait3A_137 : memref<1000000x64xf32, #tpu.memory_space<hbm>>) dst(%dma_wait3A_131 : memref<128x64xf32, #tpu.memory_space<vmem>>)
    %dma_wait3A_138 = arith.constant 195 : i32
    %dma_wait3A_139 = arith.constant 3 : i32
    %dma_wait3A_140 = arith.constant 0 : i32
    %dma_wait3A_141 = arith.constant 0 : i32
    %dma_wait3A_142 = tpu.memref_slice %arg6[%dma_wait3A_139, %dma_wait3A_140, %dma_wait3A_141] : memref<8x128x64xf32, #tpu.memory_space<vmem>> -> memref<1x128x64xf32, #tpu.memory_space<vmem>>
    %dma_wait3A_143 = tpu.memref_squeeze %dma_wait3A_142 : memref<1x128x64xf32, #tpu.memory_space<vmem>> -> memref<128x64xf32, #tpu.memory_space<vmem>>
    %dma_wait3A_144 = arith.constant 0 : i32
    %dma_wait3A_145 = tpu.memref_slice %arg5[%dma_wait3A_138, %dma_wait3A_144] : memref<200x128xi32, #tpu.memory_space<vmem>> -> memref<1x128xi32, #tpu.memory_space<vmem>>
    %dma_wait3A_146 = tpu.memref_squeeze %dma_wait3A_145 : memref<1x128xi32, #tpu.memory_space<vmem>> -> memref<128xi32, #tpu.memory_space<vmem>>
    %dma_wait3A_147 = arith.constant 0 : i32
    %dma_wait3A_148 = arith.constant 0 : i32
    %dma_wait3A_149 = tpu.memref_slice %arg3[%dma_wait3A_147, %dma_wait3A_148] : memref<1000000x64xf32, #tpu.memory_space<hbm>> -> memref<1000000x64xf32, #tpu.memory_space<hbm>>
    tpu.wait_indirect_dma semaphore(%arg7 : memref<!tpu.dma_semaphore, #tpu.memory_space<semaphore_mem>>) src(%dma_wait3A_149 : memref<1000000x64xf32, #tpu.memory_space<hbm>>) dst(%dma_wait3A_143 : memref<128x64xf32, #tpu.memory_space<vmem>>)
    %scan3A_150 = arith.constant 0 : i32
    %scan3A_151 = arith.constant 0 : i32
    %scan3A_152 = arith.constant 128 : i32
    %scan3A_153 = arith.addi %scan3A_151, %scan3A_152 : i32
    %scan3A_154 = arith.constant 1 : i32
    scf.for %scan3A_214 = %scan3A_151 to %scan3A_153 step %scan3A_154  : i32 {
      %get3A = arith.constant 0 : i32
      %get3A_215 = arith.index_cast %get3A : i32 to index
      %get3A_216 = arith.index_cast %scan3A_214 : i32 to index
      %get3A_217 = arith.constant 0 : index
      %get3A_218 = tpu.vector_load %arg6[%get3A_215, %get3A_216, %get3A_217] {strides = array<i32>} : memref<8x128x64xf32, #tpu.memory_space<vmem>>, vector<1x1x16xf32>,
      %get3A_219 = vector.shape_cast %get3A_218 : vector<1x1x16xf32> to vector<16xf32>
      %mul3A_220 = arith.constant 8.000000e+00 : f32
      %mul3A_221 = vector.broadcast %mul3A_220 : f32 to vector<16xf32>
      %mul3A_222 = arith.mulf %get3A_219, %mul3A_221 : vector<16xf32>
      %swap3A = arith.constant 0 : i32
      %swap3A_223 = arith.index_cast %swap3A : i32 to index
      %swap3A_224 = arith.index_cast %scan3A_214 : i32 to index
      %swap3A_225 = arith.constant 0 : index
      %swap3A_226 = tpu.vector_load %arg6[%swap3A_223, %swap3A_224, %swap3A_225] {strides = array<i32>} : memref<8x128x64xf32, #tpu.memory_space<vmem>>, vector<1x1x16xf32>,
      %swap3A_227 = vector.shape_cast %swap3A_226 : vector<1x1x16xf32> to vector<16xf32>
      %swap3A_228 = vector.shape_cast %mul3A_222 : vector<16xf32> to vector<1x1x16xf32>
      tpu.vector_store %arg6[%swap3A_223, %swap3A_224, %swap3A_225], %swap3A_228 {strides = array<i32>} : memref<8x128x64xf32, #tpu.memory_space<vmem>>, vector<1x1x16xf32>,
      %get3A_229 = arith.constant 0 : i32
      %get3A_230 = arith.index_cast %get3A_229 : i32 to index
      %get3A_231 = arith.index_cast %scan3A_214 : i32 to index
      %get3A_232 = arith.constant 16 : index
      %get3A_233 = tpu.vector_load %arg6[%get3A_230, %get3A_231, %get3A_232] {strides = array<i32>} : memref<8x128x64xf32, #tpu.memory_space<vmem>>, vector<1x1x16xf32>,
      %get3A_234 = vector.shape_cast %get3A_233 : vector<1x1x16xf32> to vector<16xf32>
      %mul3A_235 = arith.constant 8.000000e+00 : f32
      %mul3A_236 = vector.broadcast %mul3A_235 : f32 to vector<16xf32>
      %mul3A_237 = arith.mulf %get3A_234, %mul3A_236 : vector<16xf32>
      %swap3A_238 = arith.constant 0 : i32
      %swap3A_239 = arith.index_cast %swap3A_238 : i32 to index
      %swap3A_240 = arith.index_cast %scan3A_214 : i32 to index
      %swap3A_241 = arith.constant 16 : index
      %swap3A_242 = tpu.vector_load %arg6[%swap3A_239, %swap3A_240, %swap3A_241] {strides = array<i32>} : memref<8x128x64xf32, #tpu.memory_space<vmem>>, vector<1x1x16xf32>,
      %swap3A_243 = vector.shape_cast %swap3A_242 : vector<1x1x16xf32> to vector<16xf32>
      %swap3A_244 = vector.shape_cast %mul3A_237 : vector<16xf32> to vector<1x1x16xf32>
      tpu.vector_store %arg6[%swap3A_239, %swap3A_240, %swap3A_241], %swap3A_244 {strides = array<i32>} : memref<8x128x64xf32, #tpu.memory_space<vmem>>, vector<1x1x16xf32>,
      %get3A_245 = arith.constant 0 : i32
      %get3A_246 = arith.index_cast %get3A_245 : i32 to index
      %get3A_247 = arith.index_cast %scan3A_214 : i32 to index
      %get3A_248 = arith.constant 32 : index
      %get3A_249 = tpu.vector_load %arg6[%get3A_246, %get3A_247, %get3A_248] {strides = array<i32>} : memref<8x128x64xf32, #tpu.memory_space<vmem>>, vector<1x1x16xf32>,
      %get3A_250 = vector.shape_cast %get3A_249 : vector<1x1x16xf32> to vector<16xf32>
      %mul3A_251 = arith.constant 8.000000e+00 : f32
      %mul3A_252 = vector.broadcast %mul3A_251 : f32 to vector<16xf32>
      %mul3A_253 = arith.mulf %get3A_250, %mul3A_252 : vector<16xf32>
      %swap3A_254 = arith.constant 0 : i32
      %swap3A_255 = arith.index_cast %swap3A_254 : i32 to index
      %swap3A_256 = arith.index_cast %scan3A_214 : i32 to index
      %swap3A_257 = arith.constant 32 : index
      %swap3A_258 = tpu.vector_load %arg6[%swap3A_255, %swap3A_256, %swap3A_257] {strides = array<i32>} : memref<8x128x64xf32, #tpu.memory_space<vmem>>, vector<1x1x16xf32>,
      %swap3A_259 = vector.shape_cast %swap3A_258 : vector<1x1x16xf32> to vector<16xf32>
      %swap3A_260 = vector.shape_cast %mul3A_253 : vector<16xf32> to vector<1x1x16xf32>
      tpu.vector_store %arg6[%swap3A_255, %swap3A_256, %swap3A_257], %swap3A_260 {strides = array<i32>} : memref<8x128x64xf32, #tpu.memory_space<vmem>>, vector<1x1x16xf32>,
      %get3A_261 = arith.constant 0 : i32
      %get3A_262 = arith.index_cast %get3A_261 : i32 to index
      %get3A_263 = arith.index_cast %scan3A_214 : i32 to index
      %get3A_264 = arith.constant 48 : index
      %get3A_265 = tpu.vector_load %arg6[%get3A_262, %get3A_263, %get3A_264] {strides = array<i32>} : memref<8x128x64xf32, #tpu.memory_space<vmem>>, vector<1x1x16xf32>,
      %get3A_266 = vector.shape_cast %get3A_265 : vector<1x1x16xf32> to vector<16xf32>
      %mul3A_267 = arith.constant 8.000000e+00 : f32
      %mul3A_268 = vector.broadcast %mul3A_267 : f32 to vector<16xf32>
      %mul3A_269 = arith.mulf %get3A_266, %mul3A_268 : vector<16xf32>
      %swap3A_270 = arith.constant 0 : i32
      %swap3A_271 = arith.index_cast %swap3A_270 : i32 to index
      %swap3A_272 = arith.index_cast %scan3A_214 : i32 to index
      %swap3A_273 = arith.constant 48 : index
      %swap3A_274 = tpu.vector_load %arg6[%swap3A_271, %swap3A_272, %swap3A_273] {strides = array<i32>} : memref<8x128x64xf32, #tpu.memory_space<vmem>>, vector<1x1x16xf32>,
      %swap3A_275 = vector.shape_cast %swap3A_274 : vector<1x1x16xf32> to vector<16xf32>
      %swap3A_276 = vector.shape_cast %mul3A_269 : vector<16xf32> to vector<1x1x16xf32>
      tpu.vector_store %arg6[%swap3A_271, %swap3A_272, %swap3A_273], %swap3A_276 {strides = array<i32>} : memref<8x128x64xf32, #tpu.memory_space<vmem>>, vector<1x1x16xf32>,
      %get3A_277 = arith.constant 1 : i32
      %get3A_278 = arith.index_cast %get3A_277 : i32 to index
      %get3A_279 = arith.index_cast %scan3A_214 : i32 to index
      %get3A_280 = arith.constant 0 : index
      %get3A_281 = tpu.vector_load %arg6[%get3A_278, %get3A_279, %get3A_280] {strides = array<i32>} : memref<8x128x64xf32, #tpu.memory_space<vmem>>, vector<1x1x16xf32>,
      %get3A_282 = vector.shape_cast %get3A_281 : vector<1x1x16xf32> to vector<16xf32>
      %mul3A_283 = arith.constant 8.000000e+00 : f32
      %mul3A_284 = vector.broadcast %mul3A_283 : f32 to vector<16xf32>
      %mul3A_285 = arith.mulf %get3A_282, %mul3A_284 : vector<16xf32>
      %swap3A_286 = arith.constant 1 : i32
      %swap3A_287 = arith.index_cast %swap3A_286 : i32 to index
      %swap3A_288 = arith.index_cast %scan3A_214 : i32 to index
      %swap3A_289 = arith.constant 0 : index
      %swap3A_290 = tpu.vector_load %arg6[%swap3A_287, %swap3A_288, %swap3A_289] {strides = array<i32>} : memref<8x128x64xf32, #tpu.memory_space<vmem>>, vector<1x1x16xf32>,
      %swap3A_291 = vector.shape_cast %swap3A_290 : vector<1x1x16xf32> to vector<16xf32>
      %swap3A_292 = vector.shape_cast %mul3A_285 : vector<16xf32> to vector<1x1x16xf32>
      tpu.vector_store %arg6[%swap3A_287, %swap3A_288, %swap3A_289], %swap3A_292 {strides = array<i32>} : memref<8x128x64xf32, #tpu.memory_space<vmem>>, vector<1x1x16xf32>,
      %get3A_293 = arith.constant 1 : i32
      %get3A_294 = arith.index_cast %get3A_293 : i32 to index
      %get3A_295 = arith.index_cast %scan3A_214 : i32 to index
      %get3A_296 = arith.constant 16 : index
      %get3A_297 = tpu.vector_load %arg6[%get3A_294, %get3A_295, %get3A_296] {strides = array<i32>} : memref<8x128x64xf32, #tpu.memory_space<vmem>>, vector<1x1x16xf32>,
      %get3A_298 = vector.shape_cast %get3A_297 : vector<1x1x16xf32> to vector<16xf32>
      %mul3A_299 = arith.constant 8.000000e+00 : f32
      %mul3A_300 = vector.broadcast %mul3A_299 : f32 to vector<16xf32>
      %mul3A_301 = arith.mulf %get3A_298, %mul3A_300 : vector<16xf32>
      %swap3A_302 = arith.constant 1 : i32
      %swap3A_303 = arith.index_cast %swap3A_302 : i32 to index
      %swap3A_304 = arith.index_cast %scan3A_214 : i32 to index
      %swap3A_305 = arith.constant 16 : index
      %swap3A_306 = tpu.vector_load %arg6[%swap3A_303, %swap3A_304, %swap3A_305] {strides = array<i32>} : memref<8x128x64xf32, #tpu.memory_space<vmem>>, vector<1x1x16xf32>,
      %swap3A_307 = vector.shape_cast %swap3A_306 : vector<1x1x16xf32> to vector<16xf32>
      %swap3A_308 = vector.shape_cast %mul3A_301 : vector<16xf32> to vector<1x1x16xf32>
      tpu.vector_store %arg6[%swap3A_303, %swap3A_304, %swap3A_305], %swap3A_308 {strides = array<i32>} : memref<8x128x64xf32, #tpu.memory_space<vmem>>, vector<1x1x16xf32>,
      %get3A_309 = arith.constant 1 : i32
      %get3A_310 = arith.index_cast %get3A_309 : i32 to index
      %get3A_311 = arith.index_cast %scan3A_214 : i32 to index
      %get3A_312 = arith.constant 32 : index
      %get3A_313 = tpu.vector_load %arg6[%get3A_310, %get3A_311, %get3A_312] {strides = array<i32>} : memref<8x128x64xf32, #tpu.memory_space<vmem>>, vector<1x1x16xf32>,
      %get3A_314 = vector.shape_cast %get3A_313 : vector<1x1x16xf32> to vector<16xf32>
      %mul3A_315 = arith.constant 8.000000e+00 : f32
      %mul3A_316 = vector.broadcast %mul3A_315 : f32 to vector<16xf32>
      %mul3A_317 = arith.mulf %get3A_314, %mul3A_316 : vector<16xf32>
      %swap3A_318 = arith.constant 1 : i32
      %swap3A_319 = arith.index_cast %swap3A_318 : i32 to index
      %swap3A_320 = arith.index_cast %scan3A_214 : i32 to index
      %swap3A_321 = arith.constant 32 : index
      %swap3A_322 = tpu.vector_load %arg6[%swap3A_319, %swap3A_320, %swap3A_321] {strides = array<i32>} : memref<8x128x64xf32, #tpu.memory_space<vmem>>, vector<1x1x16xf32>,
      %swap3A_323 = vector.shape_cast %swap3A_322 : vector<1x1x16xf32> to vector<16xf32>
      %swap3A_324 = vector.shape_cast %mul3A_317 : vector<16xf32> to vector<1x1x16xf32>
      tpu.vector_store %arg6[%swap3A_319, %swap3A_320, %swap3A_321], %swap3A_324 {strides = array<i32>} : memref<8x128x64xf32, #tpu.memory_space<vmem>>, vector<1x1x16xf32>,
      %get3A_325 = arith.constant 1 : i32
      %get3A_326 = arith.index_cast %get3A_325 : i32 to index
      %get3A_327 = arith.index_cast %scan3A_214 : i32 to index
      %get3A_328 = arith.constant 48 : index
      %get3A_329 = tpu.vector_load %arg6[%get3A_326, %get3A_327, %get3A_328] {strides = array<i32>} : memref<8x128x64xf32, #tpu.memory_space<vmem>>, vector<1x1x16xf32>,
      %get3A_330 = vector.shape_cast %get3A_329 : vector<1x1x16xf32> to vector<16xf32>
      %mul3A_331 = arith.constant 8.000000e+00 : f32
      %mul3A_332 = vector.broadcast %mul3A_331 : f32 to vector<16xf32>
      %mul3A_333 = arith.mulf %get3A_330, %mul3A_332 : vector<16xf32>
      %swap3A_334 = arith.constant 1 : i32
      %swap3A_335 = arith.index_cast %swap3A_334 : i32 to index
      %swap3A_336 = arith.index_cast %scan3A_214 : i32 to index
      %swap3A_337 = arith.constant 48 : index
      %swap3A_338 = tpu.vector_load %arg6[%swap3A_335, %swap3A_336, %swap3A_337] {strides = array<i32>} : memref<8x128x64xf32, #tpu.memory_space<vmem>>, vector<1x1x16xf32>,
      %swap3A_339 = vector.shape_cast %swap3A_338 : vector<1x1x16xf32> to vector<16xf32>
      %swap3A_340 = vector.shape_cast %mul3A_333 : vector<16xf32> to vector<1x1x16xf32>
      tpu.vector_store %arg6[%swap3A_335, %swap3A_336, %swap3A_337], %swap3A_340 {strides = array<i32>} : memref<8x128x64xf32, #tpu.memory_space<vmem>>, vector<1x1x16xf32>,
      %get3A_341 = arith.constant 2 : i32
      %get3A_342 = arith.index_cast %get3A_341 : i32 to index
      %get3A_343 = arith.index_cast %scan3A_214 : i32 to index
      %get3A_344 = arith.constant 0 : index
      %get3A_345 = tpu.vector_load %arg6[%get3A_342, %get3A_343, %get3A_344] {strides = array<i32>} : memref<8x128x64xf32, #tpu.memory_space<vmem>>, vector<1x1x16xf32>,
      %get3A_346 = vector.shape_cast %get3A_345 : vector<1x1x16xf32> to vector<16xf32>
      %mul3A_347 = arith.constant 8.000000e+00 : f32
      %mul3A_348 = vector.broadcast %mul3A_347 : f32 to vector<16xf32>
      %mul3A_349 = arith.mulf %get3A_346, %mul3A_348 : vector<16xf32>
      %swap3A_350 = arith.constant 2 : i32
      %swap3A_351 = arith.index_cast %swap3A_350 : i32 to index
      %swap3A_352 = arith.index_cast %scan3A_214 : i32 to index
      %swap3A_353 = arith.constant 0 : index
      %swap3A_354 = tpu.vector_load %arg6[%swap3A_351, %swap3A_352, %swap3A_353] {strides = array<i32>} : memref<8x128x64xf32, #tpu.memory_space<vmem>>, vector<1x1x16xf32>,
      %swap3A_355 = vector.shape_cast %swap3A_354 : vector<1x1x16xf32> to vector<16xf32>
      %swap3A_356 = vector.shape_cast %mul3A_349 : vector<16xf32> to vector<1x1x16xf32>
      tpu.vector_store %arg6[%swap3A_351, %swap3A_352, %swap3A_353], %swap3A_356 {strides = array<i32>} : memref<8x128x64xf32, #tpu.memory_space<vmem>>, vector<1x1x16xf32>,
      %get3A_357 = arith.constant 2 : i32
      %get3A_358 = arith.index_cast %get3A_357 : i32 to index
      %get3A_359 = arith.index_cast %scan3A_214 : i32 to index
      %get3A_360 = arith.constant 16 : index
      %get3A_361 = tpu.vector_load %arg6[%get3A_358, %get3A_359, %get3A_360] {strides = array<i32>} : memref<8x128x64xf32, #tpu.memory_space<vmem>>, vector<1x1x16xf32>,
      %get3A_362 = vector.shape_cast %get3A_361 : vector<1x1x16xf32> to vector<16xf32>
      %mul3A_363 = arith.constant 8.000000e+00 : f32
      %mul3A_364 = vector.broadcast %mul3A_363 : f32 to vector<16xf32>
      %mul3A_365 = arith.mulf %get3A_362, %mul3A_364 : vector<16xf32>
      %swap3A_366 = arith.constant 2 : i32
      %swap3A_367 = arith.index_cast %swap3A_366 : i32 to index
      %swap3A_368 = arith.index_cast %scan3A_214 : i32 to index
      %swap3A_369 = arith.constant 16 : index
      %swap3A_370 = tpu.vector_load %arg6[%swap3A_367, %swap3A_368, %swap3A_369] {strides = array<i32>} : memref<8x128x64xf32, #tpu.memory_space<vmem>>, vector<1x1x16xf32>,
      %swap3A_371 = vector.shape_cast %swap3A_370 : vector<1x1x16xf32> to vector<16xf32>
      %swap3A_372 = vector.shape_cast %mul3A_365 : vector<16xf32> to vector<1x1x16xf32>
      tpu.vector_store %arg6[%swap3A_367, %swap3A_368, %swap3A_369], %swap3A_372 {strides = array<i32>} : memref<8x128x64xf32, #tpu.memory_space<vmem>>, vector<1x1x16xf32>,
      %get3A_373 = arith.constant 2 : i32
      %get3A_374 = arith.index_cast %get3A_373 : i32 to index
      %get3A_375 = arith.index_cast %scan3A_214 : i32 to index
      %get3A_376 = arith.constant 32 : index
      %get3A_377 = tpu.vector_load %arg6[%get3A_374, %get3A_375, %get3A_376] {strides = array<i32>} : memref<8x128x64xf32, #tpu.memory_space<vmem>>, vector<1x1x16xf32>,
      %get3A_378 = vector.shape_cast %get3A_377 : vector<1x1x16xf32> to vector<16xf32>
      %mul3A_379 = arith.constant 8.000000e+00 : f32
      %mul3A_380 = vector.broadcast %mul3A_379 : f32 to vector<16xf32>
      %mul3A_381 = arith.mulf %get3A_378, %mul3A_380 : vector<16xf32>
      %swap3A_382 = arith.constant 2 : i32
      %swap3A_383 = arith.index_cast %swap3A_382 : i32 to index
      %swap3A_384 = arith.index_cast %scan3A_214 : i32 to index
      %swap3A_385 = arith.constant 32 : index
      %swap3A_386 = tpu.vector_load %arg6[%swap3A_383, %swap3A_384, %swap3A_385] {strides = array<i32>} : memref<8x128x64xf32, #tpu.memory_space<vmem>>, vector<1x1x16xf32>,
      %swap3A_387 = vector.shape_cast %swap3A_386 : vector<1x1x16xf32> to vector<16xf32>
      %swap3A_388 = vector.shape_cast %mul3A_381 : vector<16xf32> to vector<1x1x16xf32>
      tpu.vector_store %arg6[%swap3A_383, %swap3A_384, %swap3A_385], %swap3A_388 {strides = array<i32>} : memref<8x128x64xf32, #tpu.memory_space<vmem>>, vector<1x1x16xf32>,
      %get3A_389 = arith.constant 2 : i32
      %get3A_390 = arith.index_cast %get3A_389 : i32 to index
      %get3A_391 = arith.index_cast %scan3A_214 : i32 to index
      %get3A_392 = arith.constant 48 : index
      %get3A_393 = tpu.vector_load %arg6[%get3A_390, %get3A_391, %get3A_392] {strides = array<i32>} : memref<8x128x64xf32, #tpu.memory_space<vmem>>, vector<1x1x16xf32>,
      %get3A_394 = vector.shape_cast %get3A_393 : vector<1x1x16xf32> to vector<16xf32>
      %mul3A_395 = arith.constant 8.000000e+00 : f32
      %mul3A_396 = vector.broadcast %mul3A_395 : f32 to vector<16xf32>
      %mul3A_397 = arith.mulf %get3A_394, %mul3A_396 : vector<16xf32>
      %swap3A_398 = arith.constant 2 : i32
      %swap3A_399 = arith.index_cast %swap3A_398 : i32 to index
      %swap3A_400 = arith.index_cast %scan3A_214 : i32 to index
      %swap3A_401 = arith.constant 48 : index
      %swap3A_402 = tpu.vector_load %arg6[%swap3A_399, %swap3A_400, %swap3A_401] {strides = array<i32>} : memref<8x128x64xf32, #tpu.memory_space<vmem>>, vector<1x1x16xf32>,
      %swap3A_403 = vector.shape_cast %swap3A_402 : vector<1x1x16xf32> to vector<16xf32>
      %swap3A_404 = vector.shape_cast %mul3A_397 : vector<16xf32> to vector<1x1x16xf32>
      tpu.vector_store %arg6[%swap3A_399, %swap3A_400, %swap3A_401], %swap3A_404 {strides = array<i32>} : memref<8x128x64xf32, #tpu.memory_space<vmem>>, vector<1x1x16xf32>,
      %get3A_405 = arith.constant 3 : i32
      %get3A_406 = arith.index_cast %get3A_405 : i32 to index
      %get3A_407 = arith.index_cast %scan3A_214 : i32 to index
      %get3A_408 = arith.constant 0 : index
      %get3A_409 = tpu.vector_load %arg6[%get3A_406, %get3A_407, %get3A_408] {strides = array<i32>} : memref<8x128x64xf32, #tpu.memory_space<vmem>>, vector<1x1x16xf32>,
      %get3A_410 = vector.shape_cast %get3A_409 : vector<1x1x16xf32> to vector<16xf32>
      %mul3A_411 = arith.constant 8.000000e+00 : f32
      %mul3A_412 = vector.broadcast %mul3A_411 : f32 to vector<16xf32>
      %mul3A_413 = arith.mulf %get3A_410, %mul3A_412 : vector<16xf32>
      %swap3A_414 = arith.constant 3 : i32
      %swap3A_415 = arith.index_cast %swap3A_414 : i32 to index
      %swap3A_416 = arith.index_cast %scan3A_214 : i32 to index
      %swap3A_417 = arith.constant 0 : index
      %swap3A_418 = tpu.vector_load %arg6[%swap3A_415, %swap3A_416, %swap3A_417] {strides = array<i32>} : memref<8x128x64xf32, #tpu.memory_space<vmem>>, vector<1x1x16xf32>,
      %swap3A_419 = vector.shape_cast %swap3A_418 : vector<1x1x16xf32> to vector<16xf32>
      %swap3A_420 = vector.shape_cast %mul3A_413 : vector<16xf32> to vector<1x1x16xf32>
      tpu.vector_store %arg6[%swap3A_415, %swap3A_416, %swap3A_417], %swap3A_420 {strides = array<i32>} : memref<8x128x64xf32, #tpu.memory_space<vmem>>, vector<1x1x16xf32>,
      %get3A_421 = arith.constant 3 : i32
      %get3A_422 = arith.index_cast %get3A_421 : i32 to index
      %get3A_423 = arith.index_cast %scan3A_214 : i32 to index
      %get3A_424 = arith.constant 16 : index
      %get3A_425 = tpu.vector_load %arg6[%get3A_422, %get3A_423, %get3A_424] {strides = array<i32>} : memref<8x128x64xf32, #tpu.memory_space<vmem>>, vector<1x1x16xf32>,
      %get3A_426 = vector.shape_cast %get3A_425 : vector<1x1x16xf32> to vector<16xf32>
      %mul3A_427 = arith.constant 8.000000e+00 : f32
      %mul3A_428 = vector.broadcast %mul3A_427 : f32 to vector<16xf32>
      %mul3A_429 = arith.mulf %get3A_426, %mul3A_428 : vector<16xf32>
      %swap3A_430 = arith.constant 3 : i32
      %swap3A_431 = arith.index_cast %swap3A_430 : i32 to index
      %swap3A_432 = arith.index_cast %scan3A_214 : i32 to index
      %swap3A_433 = arith.constant 16 : index
      %swap3A_434 = tpu.vector_load %arg6[%swap3A_431, %swap3A_432, %swap3A_433] {strides = array<i32>} : memref<8x128x64xf32, #tpu.memory_space<vmem>>, vector<1x1x16xf32>,
      %swap3A_435 = vector.shape_cast %swap3A_434 : vector<1x1x16xf32> to vector<16xf32>
      %swap3A_436 = vector.shape_cast %mul3A_429 : vector<16xf32> to vector<1x1x16xf32>
      tpu.vector_store %arg6[%swap3A_431, %swap3A_432, %swap3A_433], %swap3A_436 {strides = array<i32>} : memref<8x128x64xf32, #tpu.memory_space<vmem>>, vector<1x1x16xf32>,
      %get3A_437 = arith.constant 3 : i32
      %get3A_438 = arith.index_cast %get3A_437 : i32 to index
      %get3A_439 = arith.index_cast %scan3A_214 : i32 to index
      %get3A_440 = arith.constant 32 : index
      %get3A_441 = tpu.vector_load %arg6[%get3A_438, %get3A_439, %get3A_440] {strides = array<i32>} : memref<8x128x64xf32, #tpu.memory_space<vmem>>, vector<1x1x16xf32>,
      %get3A_442 = vector.shape_cast %get3A_441 : vector<1x1x16xf32> to vector<16xf32>
      %mul3A_443 = arith.constant 8.000000e+00 : f32
      %mul3A_444 = vector.broadcast %mul3A_443 : f32 to vector<16xf32>
      %mul3A_445 = arith.mulf %get3A_442, %mul3A_444 : vector<16xf32>
      %swap3A_446 = arith.constant 3 : i32
      %swap3A_447 = arith.index_cast %swap3A_446 : i32 to index
      %swap3A_448 = arith.index_cast %scan3A_214 : i32 to index
      %swap3A_449 = arith.constant 32 : index
      %swap3A_450 = tpu.vector_load %arg6[%swap3A_447, %swap3A_448, %swap3A_449] {strides = array<i32>} : memref<8x128x64xf32, #tpu.memory_space<vmem>>, vector<1x1x16xf32>,
      %swap3A_451 = vector.shape_cast %swap3A_450 : vector<1x1x16xf32> to vector<16xf32>
      %swap3A_452 = vector.shape_cast %mul3A_445 : vector<16xf32> to vector<1x1x16xf32>
      tpu.vector_store %arg6[%swap3A_447, %swap3A_448, %swap3A_449], %swap3A_452 {strides = array<i32>} : memref<8x128x64xf32, #tpu.memory_space<vmem>>, vector<1x1x16xf32>,
      %get3A_453 = arith.constant 3 : i32
      %get3A_454 = arith.index_cast %get3A_453 : i32 to index
      %get3A_455 = arith.index_cast %scan3A_214 : i32 to index
      %get3A_456 = arith.constant 48 : index
      %get3A_457 = tpu.vector_load %arg6[%get3A_454, %get3A_455, %get3A_456] {strides = array<i32>} : memref<8x128x64xf32, #tpu.memory_space<vmem>>, vector<1x1x16xf32>,
      %get3A_458 = vector.shape_cast %get3A_457 : vector<1x1x16xf32> to vector<16xf32>
      %mul3A_459 = arith.constant 8.000000e+00 : f32
      %mul3A_460 = vector.broadcast %mul3A_459 : f32 to vector<16xf32>
      %mul3A_461 = arith.mulf %get3A_458, %mul3A_460 : vector<16xf32>
      %swap3A_462 = arith.constant 3 : i32
      %swap3A_463 = arith.index_cast %swap3A_462 : i32 to index
      %swap3A_464 = arith.index_cast %scan3A_214 : i32 to index
      %swap3A_465 = arith.constant 48 : index
      %swap3A_466 = tpu.vector_load %arg6[%swap3A_463, %swap3A_464, %swap3A_465] {strides = array<i32>} : memref<8x128x64xf32, #tpu.memory_space<vmem>>, vector<1x1x16xf32>,
      %swap3A_467 = vector.shape_cast %swap3A_466 : vector<1x1x16xf32> to vector<16xf32>
      %swap3A_468 = vector.shape_cast %mul3A_461 : vector<16xf32> to vector<1x1x16xf32>
      tpu.vector_store %arg6[%swap3A_463, %swap3A_464, %swap3A_465], %swap3A_468 {strides = array<i32>} : memref<8x128x64xf32, #tpu.memory_space<vmem>>, vector<1x1x16xf32>,
    }
    %scan3A_155 = arith.constant 128 : i32
    %add3A_156 = arith.constant 192 : i32
    %add3A_157 = arith.addi %mul3A_2, %add3A_156 : i32
    "tpu.region"() ({
      %run_scoped3A = tpu.sem_alloc : memref<!tpu.dma_semaphore, #tpu.memory_space<semaphore_mem>>
      %dma_start3A_214 = arith.constant 0 : i32
      %dma_start3A_215 = arith.constant 0 : i32
      %dma_start3A_216 = arith.constant 0 : i32
      %dma_start3A_217 = tpu.memref_slice %arg6[%dma_start3A_214, %dma_start3A_215, %dma_start3A_216] : memref<8x128x64xf32, #tpu.memory_space<vmem>> -> memref<4x128x64xf32, #tpu.memory_space<vmem>>
      %dma_start3A_218 = arith.constant 0 : i32
      %dma_start3A_219 = arith.constant 0 : i32
      %dma_start3A_220 = tpu.memref_slice %arg4[%add3A_157, %dma_start3A_218, %dma_start3A_219] : memref<6400x128x64xf32, #tpu.memory_space<hbm>> -> memref<4x128x64xf32, #tpu.memory_space<hbm>>
      %dma_start3A_221 = arith.constant 0 : i32
      %dma_start3A_222 = arith.constant 0 : i32
      %dma_start3A_223 = tpu.memref_slice %arg4[%add3A_157, %dma_start3A_221, %dma_start3A_222] : memref<6400x128x64xf32, #tpu.memory_space<hbm>> -> memref<4x128x64xf32, #tpu.memory_space<hbm>>
      %dma_start3A_224 = arith.constant 0 : i32
      %dma_start3A_225 = arith.constant 0 : i32
      %dma_start3A_226 = arith.constant 0 : i32
      %dma_start3A_227 = tpu.memref_slice %arg6[%dma_start3A_224, %dma_start3A_225, %dma_start3A_226] : memref<8x128x64xf32, #tpu.memory_space<vmem>> -> memref<4x128x64xf32, #tpu.memory_space<vmem>>
      tpu.enqueue_dma source(%dma_start3A_227 : memref<4x128x64xf32, #tpu.memory_space<vmem>>) target(%dma_start3A_223 : memref<4x128x64xf32, #tpu.memory_space<hbm>>) target_semaphore(%run_scoped3A : memref<!tpu.dma_semaphore, #tpu.memory_space<semaphore_mem>>)
      %dma_wait3A_228 = arith.constant 0 : i32
      %dma_wait3A_229 = arith.constant 0 : i32
      %dma_wait3A_230 = arith.constant 0 : i32
      %dma_wait3A_231 = tpu.memref_slice %arg6[%dma_wait3A_228, %dma_wait3A_229, %dma_wait3A_230] : memref<8x128x64xf32, #tpu.memory_space<vmem>> -> memref<4x128x64xf32, #tpu.memory_space<vmem>>
      %dma_wait3A_232 = arith.constant 0 : i32
      %dma_wait3A_233 = arith.constant 0 : i32
      %dma_wait3A_234 = tpu.memref_slice %arg4[%add3A_157, %dma_wait3A_232, %dma_wait3A_233] : memref<6400x128x64xf32, #tpu.memory_space<hbm>> -> memref<4x128x64xf32, #tpu.memory_space<hbm>>
      %dma_wait3A_235 = arith.constant 0 : i32
      %dma_wait3A_236 = arith.constant 0 : i32
      %dma_wait3A_237 = tpu.memref_slice %arg4[%add3A_157, %dma_wait3A_235, %dma_wait3A_236] : memref<6400x128x64xf32, #tpu.memory_space<hbm>> -> memref<4x128x64xf32, #tpu.memory_space<hbm>>
      %dma_wait3A_238 = arith.constant 0 : i32
      %dma_wait3A_239 = arith.constant 0 : i32
      %dma_wait3A_240 = arith.constant 0 : i32
      %dma_wait3A_241 = tpu.memref_slice %arg6[%dma_wait3A_238, %dma_wait3A_239, %dma_wait3A_240] : memref<8x128x64xf32, #tpu.memory_space<vmem>> -> memref<4x128x64xf32, #tpu.memory_space<vmem>>
      tpu.wait_dma2 semaphore(%run_scoped3A : memref<!tpu.dma_semaphore, #tpu.memory_space<semaphore_mem>>) src(%dma_wait3A_241 : memref<4x128x64xf32, #tpu.memory_space<vmem>>) dst(%dma_wait3A_237 : memref<4x128x64xf32, #tpu.memory_space<hbm>>)
      tpu.yield
    }) : () -> ()
    %dma_wait3A_158 = arith.constant 196 : i32
    %dma_wait3A_159 = arith.constant 4 : i32
    %dma_wait3A_160 = arith.constant 0 : i32
    %dma_wait3A_161 = arith.constant 0 : i32
    %dma_wait3A_162 = tpu.memref_slice %arg6[%dma_wait3A_159, %dma_wait3A_160, %dma_wait3A_161] : memref<8x128x64xf32, #tpu.memory_space<vmem>> -> memref<1x128x64xf32, #tpu.memory_space<vmem>>
    %dma_wait3A_163 = tpu.memref_squeeze %dma_wait3A_162 : memref<1x128x64xf32, #tpu.memory_space<vmem>> -> memref<128x64xf32, #tpu.memory_space<vmem>>
    %dma_wait3A_164 = arith.constant 0 : i32
    %dma_wait3A_165 = tpu.memref_slice %arg5[%dma_wait3A_158, %dma_wait3A_164] : memref<200x128xi32, #tpu.memory_space<vmem>> -> memref<1x128xi32, #tpu.memory_space<vmem>>
    %dma_wait3A_166 = tpu.memref_squeeze %dma_wait3A_165 : memref<1x128xi32, #tpu.memory_space<vmem>> -> memref<128xi32, #tpu.memory_space<vmem>>
    %dma_wait3A_167 = arith.constant 0 : i32
    %dma_wait3A_168 = arith.constant 0 : i32
    %dma_wait3A_169 = tpu.memref_slice %arg3[%dma_wait3A_167, %dma_wait3A_168] : memref<1000000x64xf32, #tpu.memory_space<hbm>> -> memref<1000000x64xf32, #tpu.memory_space<hbm>>
    tpu.wait_indirect_dma semaphore(%arg7 : memref<!tpu.dma_semaphore, #tpu.memory_space<semaphore_mem>>) src(%dma_wait3A_169 : memref<1000000x64xf32, #tpu.memory_space<hbm>>) dst(%dma_wait3A_163 : memref<128x64xf32, #tpu.memory_space<vmem>>)
    %dma_wait3A_170 = arith.constant 197 : i32
    %dma_wait3A_171 = arith.constant 5 : i32
    %dma_wait3A_172 = arith.constant 0 : i32
    %dma_wait3A_173 = arith.constant 0 : i32
    %dma_wait3A_174 = tpu.memref_slice %arg6[%dma_wait3A_171, %dma_wait3A_172, %dma_wait3A_173] : memref<8x128x64xf32, #tpu.memory_space<vmem>> -> memref<1x128x64xf32, #tpu.memory_space<vmem>>
    %dma_wait3A_175 = tpu.memref_squeeze %dma_wait3A_174 : memref<1x128x64xf32, #tpu.memory_space<vmem>> -> memref<128x64xf32, #tpu.memory_space<vmem>>
    %dma_wait3A_176 = arith.constant 0 : i32
    %dma_wait3A_177 = tpu.memref_slice %arg5[%dma_wait3A_170, %dma_wait3A_176] : memref<200x128xi32, #tpu.memory_space<vmem>> -> memref<1x128xi32, #tpu.memory_space<vmem>>
    %dma_wait3A_178 = tpu.memref_squeeze %dma_wait3A_177 : memref<1x128xi32, #tpu.memory_space<vmem>> -> memref<128xi32, #tpu.memory_space<vmem>>
    %dma_wait3A_179 = arith.constant 0 : i32
    %dma_wait3A_180 = arith.constant 0 : i32
    %dma_wait3A_181 = tpu.memref_slice %arg3[%dma_wait3A_179, %dma_wait3A_180] : memref<1000000x64xf32, #tpu.memory_space<hbm>> -> memref<1000000x64xf32, #tpu.memory_space<hbm>>
    tpu.wait_indirect_dma semaphore(%arg7 : memref<!tpu.dma_semaphore, #tpu.memory_space<semaphore_mem>>) src(%dma_wait3A_181 : memref<1000000x64xf32, #tpu.memory_space<hbm>>) dst(%dma_wait3A_175 : memref<128x64xf32, #tpu.memory_space<vmem>>)
    %dma_wait3A_182 = arith.constant 198 : i32
    %dma_wait3A_183 = arith.constant 6 : i32
    %dma_wait3A_184 = arith.constant 0 : i32
    %dma_wait3A_185 = arith.constant 0 : i32
    %dma_wait3A_186 = tpu.memref_slice %arg6[%dma_wait3A_183, %dma_wait3A_184, %dma_wait3A_185] : memref<8x128x64xf32, #tpu.memory_space<vmem>> -> memref<1x128x64xf32, #tpu.memory_space<vmem>>
    %dma_wait3A_187 = tpu.memref_squeeze %dma_wait3A_186 : memref<1x128x64xf32, #tpu.memory_space<vmem>> -> memref<128x64xf32, #tpu.memory_space<vmem>>
    %dma_wait3A_188 = arith.constant 0 : i32
    %dma_wait3A_189 = tpu.memref_slice %arg5[%dma_wait3A_182, %dma_wait3A_188] : memref<200x128xi32, #tpu.memory_space<vmem>> -> memref<1x128xi32, #tpu.memory_space<vmem>>
    %dma_wait3A_190 = tpu.memref_squeeze %dma_wait3A_189 : memref<1x128xi32, #tpu.memory_space<vmem>> -> memref<128xi32, #tpu.memory_space<vmem>>
    %dma_wait3A_191 = arith.constant 0 : i32
    %dma_wait3A_192 = arith.constant 0 : i32
    %dma_wait3A_193 = tpu.memref_slice %arg3[%dma_wait3A_191, %dma_wait3A_192] : memref<1000000x64xf32, #tpu.memory_space<hbm>> -> memref<1000000x64xf32, #tpu.memory_space<hbm>>
    tpu.wait_indirect_dma semaphore(%arg7 : memref<!tpu.dma_semaphore, #tpu.memory_space<semaphore_mem>>) src(%dma_wait3A_193 : memref<1000000x64xf32, #tpu.memory_space<hbm>>) dst(%dma_wait3A_187 : memref<128x64xf32, #tpu.memory_space<vmem>>)
    %dma_wait3A_194 = arith.constant 199 : i32
    %dma_wait3A_195 = arith.constant 7 : i32
    %dma_wait3A_196 = arith.constant 0 : i32
    %dma_wait3A_197 = arith.constant 0 : i32
    %dma_wait3A_198 = tpu.memref_slice %arg6[%dma_wait3A_195, %dma_wait3A_196, %dma_wait3A_197] : memref<8x128x64xf32, #tpu.memory_space<vmem>> -> memref<1x128x64xf32, #tpu.memory_space<vmem>>
    %dma_wait3A_199 = tpu.memref_squeeze %dma_wait3A_198 : memref<1x128x64xf32, #tpu.memory_space<vmem>> -> memref<128x64xf32, #tpu.memory_space<vmem>>
    %dma_wait3A_200 = arith.constant 0 : i32
    %dma_wait3A_201 = tpu.memref_slice %arg5[%dma_wait3A_194, %dma_wait3A_200] : memref<200x128xi32, #tpu.memory_space<vmem>> -> memref<1x128xi32, #tpu.memory_space<vmem>>
    %dma_wait3A_202 = tpu.memref_squeeze %dma_wait3A_201 : memref<1x128xi32, #tpu.memory_space<vmem>> -> memref<128xi32, #tpu.memory_space<vmem>>
    %dma_wait3A_203 = arith.constant 0 : i32
    %dma_wait3A_204 = arith.constant 0 : i32
    %dma_wait3A_205 = tpu.memref_slice %arg3[%dma_wait3A_203, %dma_wait3A_204] : memref<1000000x64xf32, #tpu.memory_space<hbm>> -> memref<1000000x64xf32, #tpu.memory_space<hbm>>
    tpu.wait_indirect_dma semaphore(%arg7 : memref<!tpu.dma_semaphore, #tpu.memory_space<semaphore_mem>>) src(%dma_wait3A_205 : memref<1000000x64xf32, #tpu.memory_space<hbm>>) dst(%dma_wait3A_199 : memref<128x64xf32, #tpu.memory_space<vmem>>)
    %scan3A_206 = arith.constant 0 : i32
    %scan3A_207 = arith.constant 0 : i32
    %scan3A_208 = arith.constant 128 : i32
    %scan3A_209 = arith.addi %scan3A_207, %scan3A_208 : i32
    %scan3A_210 = arith.constant 1 : i32
    scf.for %scan3A_214 = %scan3A_207 to %scan3A_209 step %scan3A_210  : i32 {
      %get3A = arith.constant 4 : i32
      %get3A_215 = arith.index_cast %get3A : i32 to index
      %get3A_216 = arith.index_cast %scan3A_214 : i32 to index
      %get3A_217 = arith.constant 0 : index
      %get3A_218 = tpu.vector_load %arg6[%get3A_215, %get3A_216, %get3A_217] {strides = array<i32>} : memref<8x128x64xf32, #tpu.memory_space<vmem>>, vector<1x1x16xf32>,
      %get3A_219 = vector.shape_cast %get3A_218 : vector<1x1x16xf32> to vector<16xf32>
      %mul3A_220 = arith.constant 8.000000e+00 : f32
      %mul3A_221 = vector.broadcast %mul3A_220 : f32 to vector<16xf32>
      %mul3A_222 = arith.mulf %get3A_219, %mul3A_221 : vector<16xf32>
      %swap3A = arith.constant 4 : i32
      %swap3A_223 = arith.index_cast %swap3A : i32 to index
      %swap3A_224 = arith.index_cast %scan3A_214 : i32 to index
      %swap3A_225 = arith.constant 0 : index
      %swap3A_226 = tpu.vector_load %arg6[%swap3A_223, %swap3A_224, %swap3A_225] {strides = array<i32>} : memref<8x128x64xf32, #tpu.memory_space<vmem>>, vector<1x1x16xf32>,
      %swap3A_227 = vector.shape_cast %swap3A_226 : vector<1x1x16xf32> to vector<16xf32>
      %swap3A_228 = vector.shape_cast %mul3A_222 : vector<16xf32> to vector<1x1x16xf32>
      tpu.vector_store %arg6[%swap3A_223, %swap3A_224, %swap3A_225], %swap3A_228 {strides = array<i32>} : memref<8x128x64xf32, #tpu.memory_space<vmem>>, vector<1x1x16xf32>,
      %get3A_229 = arith.constant 4 : i32
      %get3A_230 = arith.index_cast %get3A_229 : i32 to index
      %get3A_231 = arith.index_cast %scan3A_214 : i32 to index
      %get3A_232 = arith.constant 16 : index
      %get3A_233 = tpu.vector_load %arg6[%get3A_230, %get3A_231, %get3A_232] {strides = array<i32>} : memref<8x128x64xf32, #tpu.memory_space<vmem>>, vector<1x1x16xf32>,
      %get3A_234 = vector.shape_cast %get3A_233 : vector<1x1x16xf32> to vector<16xf32>
      %mul3A_235 = arith.constant 8.000000e+00 : f32
      %mul3A_236 = vector.broadcast %mul3A_235 : f32 to vector<16xf32>
      %mul3A_237 = arith.mulf %get3A_234, %mul3A_236 : vector<16xf32>
      %swap3A_238 = arith.constant 4 : i32
      %swap3A_239 = arith.index_cast %swap3A_238 : i32 to index
      %swap3A_240 = arith.index_cast %scan3A_214 : i32 to index
      %swap3A_241 = arith.constant 16 : index
      %swap3A_242 = tpu.vector_load %arg6[%swap3A_239, %swap3A_240, %swap3A_241] {strides = array<i32>} : memref<8x128x64xf32, #tpu.memory_space<vmem>>, vector<1x1x16xf32>,
      %swap3A_243 = vector.shape_cast %swap3A_242 : vector<1x1x16xf32> to vector<16xf32>
      %swap3A_244 = vector.shape_cast %mul3A_237 : vector<16xf32> to vector<1x1x16xf32>
      tpu.vector_store %arg6[%swap3A_239, %swap3A_240, %swap3A_241], %swap3A_244 {strides = array<i32>} : memref<8x128x64xf32, #tpu.memory_space<vmem>>, vector<1x1x16xf32>,
      %get3A_245 = arith.constant 4 : i32
      %get3A_246 = arith.index_cast %get3A_245 : i32 to index
      %get3A_247 = arith.index_cast %scan3A_214 : i32 to index
      %get3A_248 = arith.constant 32 : index
      %get3A_249 = tpu.vector_load %arg6[%get3A_246, %get3A_247, %get3A_248] {strides = array<i32>} : memref<8x128x64xf32, #tpu.memory_space<vmem>>, vector<1x1x16xf32>,
      %get3A_250 = vector.shape_cast %get3A_249 : vector<1x1x16xf32> to vector<16xf32>
      %mul3A_251 = arith.constant 8.000000e+00 : f32
      %mul3A_252 = vector.broadcast %mul3A_251 : f32 to vector<16xf32>
      %mul3A_253 = arith.mulf %get3A_250, %mul3A_252 : vector<16xf32>
      %swap3A_254 = arith.constant 4 : i32
      %swap3A_255 = arith.index_cast %swap3A_254 : i32 to index
      %swap3A_256 = arith.index_cast %scan3A_214 : i32 to index
      %swap3A_257 = arith.constant 32 : index
      %swap3A_258 = tpu.vector_load %arg6[%swap3A_255, %swap3A_256, %swap3A_257] {strides = array<i32>} : memref<8x128x64xf32, #tpu.memory_space<vmem>>, vector<1x1x16xf32>,
      %swap3A_259 = vector.shape_cast %swap3A_258 : vector<1x1x16xf32> to vector<16xf32>
      %swap3A_260 = vector.shape_cast %mul3A_253 : vector<16xf32> to vector<1x1x16xf32>
      tpu.vector_store %arg6[%swap3A_255, %swap3A_256, %swap3A_257], %swap3A_260 {strides = array<i32>} : memref<8x128x64xf32, #tpu.memory_space<vmem>>, vector<1x1x16xf32>,
      %get3A_261 = arith.constant 4 : i32
      %get3A_262 = arith.index_cast %get3A_261 : i32 to index
      %get3A_263 = arith.index_cast %scan3A_214 : i32 to index
      %get3A_264 = arith.constant 48 : index
      %get3A_265 = tpu.vector_load %arg6[%get3A_262, %get3A_263, %get3A_264] {strides = array<i32>} : memref<8x128x64xf32, #tpu.memory_space<vmem>>, vector<1x1x16xf32>,
      %get3A_266 = vector.shape_cast %get3A_265 : vector<1x1x16xf32> to vector<16xf32>
      %mul3A_267 = arith.constant 8.000000e+00 : f32
      %mul3A_268 = vector.broadcast %mul3A_267 : f32 to vector<16xf32>
      %mul3A_269 = arith.mulf %get3A_266, %mul3A_268 : vector<16xf32>
      %swap3A_270 = arith.constant 4 : i32
      %swap3A_271 = arith.index_cast %swap3A_270 : i32 to index
      %swap3A_272 = arith.index_cast %scan3A_214 : i32 to index
      %swap3A_273 = arith.constant 48 : index
      %swap3A_274 = tpu.vector_load %arg6[%swap3A_271, %swap3A_272, %swap3A_273] {strides = array<i32>} : memref<8x128x64xf32, #tpu.memory_space<vmem>>, vector<1x1x16xf32>,
      %swap3A_275 = vector.shape_cast %swap3A_274 : vector<1x1x16xf32> to vector<16xf32>
      %swap3A_276 = vector.shape_cast %mul3A_269 : vector<16xf32> to vector<1x1x16xf32>
      tpu.vector_store %arg6[%swap3A_271, %swap3A_272, %swap3A_273], %swap3A_276 {strides = array<i32>} : memref<8x128x64xf32, #tpu.memory_space<vmem>>, vector<1x1x16xf32>,
      %get3A_277 = arith.constant 5 : i32
      %get3A_278 = arith.index_cast %get3A_277 : i32 to index
      %get3A_279 = arith.index_cast %scan3A_214 : i32 to index
      %get3A_280 = arith.constant 0 : index
      %get3A_281 = tpu.vector_load %arg6[%get3A_278, %get3A_279, %get3A_280] {strides = array<i32>} : memref<8x128x64xf32, #tpu.memory_space<vmem>>, vector<1x1x16xf32>,
      %get3A_282 = vector.shape_cast %get3A_281 : vector<1x1x16xf32> to vector<16xf32>
      %mul3A_283 = arith.constant 8.000000e+00 : f32
      %mul3A_284 = vector.broadcast %mul3A_283 : f32 to vector<16xf32>
      %mul3A_285 = arith.mulf %get3A_282, %mul3A_284 : vector<16xf32>
      %swap3A_286 = arith.constant 5 : i32
      %swap3A_287 = arith.index_cast %swap3A_286 : i32 to index
      %swap3A_288 = arith.index_cast %scan3A_214 : i32 to index
      %swap3A_289 = arith.constant 0 : index
      %swap3A_290 = tpu.vector_load %arg6[%swap3A_287, %swap3A_288, %swap3A_289] {strides = array<i32>} : memref<8x128x64xf32, #tpu.memory_space<vmem>>, vector<1x1x16xf32>,
      %swap3A_291 = vector.shape_cast %swap3A_290 : vector<1x1x16xf32> to vector<16xf32>
      %swap3A_292 = vector.shape_cast %mul3A_285 : vector<16xf32> to vector<1x1x16xf32>
      tpu.vector_store %arg6[%swap3A_287, %swap3A_288, %swap3A_289], %swap3A_292 {strides = array<i32>} : memref<8x128x64xf32, #tpu.memory_space<vmem>>, vector<1x1x16xf32>,
      %get3A_293 = arith.constant 5 : i32
      %get3A_294 = arith.index_cast %get3A_293 : i32 to index
      %get3A_295 = arith.index_cast %scan3A_214 : i32 to index
      %get3A_296 = arith.constant 16 : index
      %get3A_297 = tpu.vector_load %arg6[%get3A_294, %get3A_295, %get3A_296] {strides = array<i32>} : memref<8x128x64xf32, #tpu.memory_space<vmem>>, vector<1x1x16xf32>,
      %get3A_298 = vector.shape_cast %get3A_297 : vector<1x1x16xf32> to vector<16xf32>
      %mul3A_299 = arith.constant 8.000000e+00 : f32
      %mul3A_300 = vector.broadcast %mul3A_299 : f32 to vector<16xf32>
      %mul3A_301 = arith.mulf %get3A_298, %mul3A_300 : vector<16xf32>
      %swap3A_302 = arith.constant 5 : i32
      %swap3A_303 = arith.index_cast %swap3A_302 : i32 to index
      %swap3A_304 = arith.index_cast %scan3A_214 : i32 to index
      %swap3A_305 = arith.constant 16 : index
      %swap3A_306 = tpu.vector_load %arg6[%swap3A_303, %swap3A_304, %swap3A_305] {strides = array<i32>} : memref<8x128x64xf32, #tpu.memory_space<vmem>>, vector<1x1x16xf32>,
      %swap3A_307 = vector.shape_cast %swap3A_306 : vector<1x1x16xf32> to vector<16xf32>
      %swap3A_308 = vector.shape_cast %mul3A_301 : vector<16xf32> to vector<1x1x16xf32>
      tpu.vector_store %arg6[%swap3A_303, %swap3A_304, %swap3A_305], %swap3A_308 {strides = array<i32>} : memref<8x128x64xf32, #tpu.memory_space<vmem>>, vector<1x1x16xf32>,
      %get3A_309 = arith.constant 5 : i32
      %get3A_310 = arith.index_cast %get3A_309 : i32 to index
      %get3A_311 = arith.index_cast %scan3A_214 : i32 to index
      %get3A_312 = arith.constant 32 : index
      %get3A_313 = tpu.vector_load %arg6[%get3A_310, %get3A_311, %get3A_312] {strides = array<i32>} : memref<8x128x64xf32, #tpu.memory_space<vmem>>, vector<1x1x16xf32>,
      %get3A_314 = vector.shape_cast %get3A_313 : vector<1x1x16xf32> to vector<16xf32>
      %mul3A_315 = arith.constant 8.000000e+00 : f32
      %mul3A_316 = vector.broadcast %mul3A_315 : f32 to vector<16xf32>
      %mul3A_317 = arith.mulf %get3A_314, %mul3A_316 : vector<16xf32>
      %swap3A_318 = arith.constant 5 : i32
      %swap3A_319 = arith.index_cast %swap3A_318 : i32 to index
      %swap3A_320 = arith.index_cast %scan3A_214 : i32 to index
      %swap3A_321 = arith.constant 32 : index
      %swap3A_322 = tpu.vector_load %arg6[%swap3A_319, %swap3A_320, %swap3A_321] {strides = array<i32>} : memref<8x128x64xf32, #tpu.memory_space<vmem>>, vector<1x1x16xf32>,
      %swap3A_323 = vector.shape_cast %swap3A_322 : vector<1x1x16xf32> to vector<16xf32>
      %swap3A_324 = vector.shape_cast %mul3A_317 : vector<16xf32> to vector<1x1x16xf32>
      tpu.vector_store %arg6[%swap3A_319, %swap3A_320, %swap3A_321], %swap3A_324 {strides = array<i32>} : memref<8x128x64xf32, #tpu.memory_space<vmem>>, vector<1x1x16xf32>,
      %get3A_325 = arith.constant 5 : i32
      %get3A_326 = arith.index_cast %get3A_325 : i32 to index
      %get3A_327 = arith.index_cast %scan3A_214 : i32 to index
      %get3A_328 = arith.constant 48 : index
      %get3A_329 = tpu.vector_load %arg6[%get3A_326, %get3A_327, %get3A_328] {strides = array<i32>} : memref<8x128x64xf32, #tpu.memory_space<vmem>>, vector<1x1x16xf32>,
      %get3A_330 = vector.shape_cast %get3A_329 : vector<1x1x16xf32> to vector<16xf32>
      %mul3A_331 = arith.constant 8.000000e+00 : f32
      %mul3A_332 = vector.broadcast %mul3A_331 : f32 to vector<16xf32>
      %mul3A_333 = arith.mulf %get3A_330, %mul3A_332 : vector<16xf32>
      %swap3A_334 = arith.constant 5 : i32
      %swap3A_335 = arith.index_cast %swap3A_334 : i32 to index
      %swap3A_336 = arith.index_cast %scan3A_214 : i32 to index
      %swap3A_337 = arith.constant 48 : index
      %swap3A_338 = tpu.vector_load %arg6[%swap3A_335, %swap3A_336, %swap3A_337] {strides = array<i32>} : memref<8x128x64xf32, #tpu.memory_space<vmem>>, vector<1x1x16xf32>,
      %swap3A_339 = vector.shape_cast %swap3A_338 : vector<1x1x16xf32> to vector<16xf32>
      %swap3A_340 = vector.shape_cast %mul3A_333 : vector<16xf32> to vector<1x1x16xf32>
      tpu.vector_store %arg6[%swap3A_335, %swap3A_336, %swap3A_337], %swap3A_340 {strides = array<i32>} : memref<8x128x64xf32, #tpu.memory_space<vmem>>, vector<1x1x16xf32>,
      %get3A_341 = arith.constant 6 : i32
      %get3A_342 = arith.index_cast %get3A_341 : i32 to index
      %get3A_343 = arith.index_cast %scan3A_214 : i32 to index
      %get3A_344 = arith.constant 0 : index
      %get3A_345 = tpu.vector_load %arg6[%get3A_342, %get3A_343, %get3A_344] {strides = array<i32>} : memref<8x128x64xf32, #tpu.memory_space<vmem>>, vector<1x1x16xf32>,
      %get3A_346 = vector.shape_cast %get3A_345 : vector<1x1x16xf32> to vector<16xf32>
      %mul3A_347 = arith.constant 8.000000e+00 : f32
      %mul3A_348 = vector.broadcast %mul3A_347 : f32 to vector<16xf32>
      %mul3A_349 = arith.mulf %get3A_346, %mul3A_348 : vector<16xf32>
      %swap3A_350 = arith.constant 6 : i32
      %swap3A_351 = arith.index_cast %swap3A_350 : i32 to index
      %swap3A_352 = arith.index_cast %scan3A_214 : i32 to index
      %swap3A_353 = arith.constant 0 : index
      %swap3A_354 = tpu.vector_load %arg6[%swap3A_351, %swap3A_352, %swap3A_353] {strides = array<i32>} : memref<8x128x64xf32, #tpu.memory_space<vmem>>, vector<1x1x16xf32>,
      %swap3A_355 = vector.shape_cast %swap3A_354 : vector<1x1x16xf32> to vector<16xf32>
      %swap3A_356 = vector.shape_cast %mul3A_349 : vector<16xf32> to vector<1x1x16xf32>
      tpu.vector_store %arg6[%swap3A_351, %swap3A_352, %swap3A_353], %swap3A_356 {strides = array<i32>} : memref<8x128x64xf32, #tpu.memory_space<vmem>>, vector<1x1x16xf32>,
      %get3A_357 = arith.constant 6 : i32
      %get3A_358 = arith.index_cast %get3A_357 : i32 to index
      %get3A_359 = arith.index_cast %scan3A_214 : i32 to index
      %get3A_360 = arith.constant 16 : index
      %get3A_361 = tpu.vector_load %arg6[%get3A_358, %get3A_359, %get3A_360] {strides = array<i32>} : memref<8x128x64xf32, #tpu.memory_space<vmem>>, vector<1x1x16xf32>,
      %get3A_362 = vector.shape_cast %get3A_361 : vector<1x1x16xf32> to vector<16xf32>
      %mul3A_363 = arith.constant 8.000000e+00 : f32
      %mul3A_364 = vector.broadcast %mul3A_363 : f32 to vector<16xf32>
      %mul3A_365 = arith.mulf %get3A_362, %mul3A_364 : vector<16xf32>
      %swap3A_366 = arith.constant 6 : i32
      %swap3A_367 = arith.index_cast %swap3A_366 : i32 to index
      %swap3A_368 = arith.index_cast %scan3A_214 : i32 to index
      %swap3A_369 = arith.constant 16 : index
      %swap3A_370 = tpu.vector_load %arg6[%swap3A_367, %swap3A_368, %swap3A_369] {strides = array<i32>} : memref<8x128x64xf32, #tpu.memory_space<vmem>>, vector<1x1x16xf32>,
      %swap3A_371 = vector.shape_cast %swap3A_370 : vector<1x1x16xf32> to vector<16xf32>
      %swap3A_372 = vector.shape_cast %mul3A_365 : vector<16xf32> to vector<1x1x16xf32>
      tpu.vector_store %arg6[%swap3A_367, %swap3A_368, %swap3A_369], %swap3A_372 {strides = array<i32>} : memref<8x128x64xf32, #tpu.memory_space<vmem>>, vector<1x1x16xf32>,
      %get3A_373 = arith.constant 6 : i32
      %get3A_374 = arith.index_cast %get3A_373 : i32 to index
      %get3A_375 = arith.index_cast %scan3A_214 : i32 to index
      %get3A_376 = arith.constant 32 : index
      %get3A_377 = tpu.vector_load %arg6[%get3A_374, %get3A_375, %get3A_376] {strides = array<i32>} : memref<8x128x64xf32, #tpu.memory_space<vmem>>, vector<1x1x16xf32>,
      %get3A_378 = vector.shape_cast %get3A_377 : vector<1x1x16xf32> to vector<16xf32>
      %mul3A_379 = arith.constant 8.000000e+00 : f32
      %mul3A_380 = vector.broadcast %mul3A_379 : f32 to vector<16xf32>
      %mul3A_381 = arith.mulf %get3A_378, %mul3A_380 : vector<16xf32>
      %swap3A_382 = arith.constant 6 : i32
      %swap3A_383 = arith.index_cast %swap3A_382 : i32 to index
      %swap3A_384 = arith.index_cast %scan3A_214 : i32 to index
      %swap3A_385 = arith.constant 32 : index
      %swap3A_386 = tpu.vector_load %arg6[%swap3A_383, %swap3A_384, %swap3A_385] {strides = array<i32>} : memref<8x128x64xf32, #tpu.memory_space<vmem>>, vector<1x1x16xf32>,
      %swap3A_387 = vector.shape_cast %swap3A_386 : vector<1x1x16xf32> to vector<16xf32>
      %swap3A_388 = vector.shape_cast %mul3A_381 : vector<16xf32> to vector<1x1x16xf32>
      tpu.vector_store %arg6[%swap3A_383, %swap3A_384, %swap3A_385], %swap3A_388 {strides = array<i32>} : memref<8x128x64xf32, #tpu.memory_space<vmem>>, vector<1x1x16xf32>,
      %get3A_389 = arith.constant 6 : i32
      %get3A_390 = arith.index_cast %get3A_389 : i32 to index
      %get3A_391 = arith.index_cast %scan3A_214 : i32 to index
      %get3A_392 = arith.constant 48 : index
      %get3A_393 = tpu.vector_load %arg6[%get3A_390, %get3A_391, %get3A_392] {strides = array<i32>} : memref<8x128x64xf32, #tpu.memory_space<vmem>>, vector<1x1x16xf32>,
      %get3A_394 = vector.shape_cast %get3A_393 : vector<1x1x16xf32> to vector<16xf32>
      %mul3A_395 = arith.constant 8.000000e+00 : f32
      %mul3A_396 = vector.broadcast %mul3A_395 : f32 to vector<16xf32>
      %mul3A_397 = arith.mulf %get3A_394, %mul3A_396 : vector<16xf32>
      %swap3A_398 = arith.constant 6 : i32
      %swap3A_399 = arith.index_cast %swap3A_398 : i32 to index
      %swap3A_400 = arith.index_cast %scan3A_214 : i32 to index
      %swap3A_401 = arith.constant 48 : index
      %swap3A_402 = tpu.vector_load %arg6[%swap3A_399, %swap3A_400, %swap3A_401] {strides = array<i32>} : memref<8x128x64xf32, #tpu.memory_space<vmem>>, vector<1x1x16xf32>,
      %swap3A_403 = vector.shape_cast %swap3A_402 : vector<1x1x16xf32> to vector<16xf32>
      %swap3A_404 = vector.shape_cast %mul3A_397 : vector<16xf32> to vector<1x1x16xf32>
      tpu.vector_store %arg6[%swap3A_399, %swap3A_400, %swap3A_401], %swap3A_404 {strides = array<i32>} : memref<8x128x64xf32, #tpu.memory_space<vmem>>, vector<1x1x16xf32>,
      %get3A_405 = arith.constant 7 : i32
      %get3A_406 = arith.index_cast %get3A_405 : i32 to index
      %get3A_407 = arith.index_cast %scan3A_214 : i32 to index
      %get3A_408 = arith.constant 0 : index
      %get3A_409 = tpu.vector_load %arg6[%get3A_406, %get3A_407, %get3A_408] {strides = array<i32>} : memref<8x128x64xf32, #tpu.memory_space<vmem>>, vector<1x1x16xf32>,
      %get3A_410 = vector.shape_cast %get3A_409 : vector<1x1x16xf32> to vector<16xf32>
      %mul3A_411 = arith.constant 8.000000e+00 : f32
      %mul3A_412 = vector.broadcast %mul3A_411 : f32 to vector<16xf32>
      %mul3A_413 = arith.mulf %get3A_410, %mul3A_412 : vector<16xf32>
      %swap3A_414 = arith.constant 7 : i32
      %swap3A_415 = arith.index_cast %swap3A_414 : i32 to index
      %swap3A_416 = arith.index_cast %scan3A_214 : i32 to index
      %swap3A_417 = arith.constant 0 : index
      %swap3A_418 = tpu.vector_load %arg6[%swap3A_415, %swap3A_416, %swap3A_417] {strides = array<i32>} : memref<8x128x64xf32, #tpu.memory_space<vmem>>, vector<1x1x16xf32>,
      %swap3A_419 = vector.shape_cast %swap3A_418 : vector<1x1x16xf32> to vector<16xf32>
      %swap3A_420 = vector.shape_cast %mul3A_413 : vector<16xf32> to vector<1x1x16xf32>
      tpu.vector_store %arg6[%swap3A_415, %swap3A_416, %swap3A_417], %swap3A_420 {strides = array<i32>} : memref<8x128x64xf32, #tpu.memory_space<vmem>>, vector<1x1x16xf32>,
      %get3A_421 = arith.constant 7 : i32
      %get3A_422 = arith.index_cast %get3A_421 : i32 to index
      %get3A_423 = arith.index_cast %scan3A_214 : i32 to index
      %get3A_424 = arith.constant 16 : index
      %get3A_425 = tpu.vector_load %arg6[%get3A_422, %get3A_423, %get3A_424] {strides = array<i32>} : memref<8x128x64xf32, #tpu.memory_space<vmem>>, vector<1x1x16xf32>,
      %get3A_426 = vector.shape_cast %get3A_425 : vector<1x1x16xf32> to vector<16xf32>
      %mul3A_427 = arith.constant 8.000000e+00 : f32
      %mul3A_428 = vector.broadcast %mul3A_427 : f32 to vector<16xf32>
      %mul3A_429 = arith.mulf %get3A_426, %mul3A_428 : vector<16xf32>
      %swap3A_430 = arith.constant 7 : i32
      %swap3A_431 = arith.index_cast %swap3A_430 : i32 to index
      %swap3A_432 = arith.index_cast %scan3A_214 : i32 to index
      %swap3A_433 = arith.constant 16 : index
      %swap3A_434 = tpu.vector_load %arg6[%swap3A_431, %swap3A_432, %swap3A_433] {strides = array<i32>} : memref<8x128x64xf32, #tpu.memory_space<vmem>>, vector<1x1x16xf32>,
      %swap3A_435 = vector.shape_cast %swap3A_434 : vector<1x1x16xf32> to vector<16xf32>
      %swap3A_436 = vector.shape_cast %mul3A_429 : vector<16xf32> to vector<1x1x16xf32>
      tpu.vector_store %arg6[%swap3A_431, %swap3A_432, %swap3A_433], %swap3A_436 {strides = array<i32>} : memref<8x128x64xf32, #tpu.memory_space<vmem>>, vector<1x1x16xf32>,
      %get3A_437 = arith.constant 7 : i32
      %get3A_438 = arith.index_cast %get3A_437 : i32 to index
      %get3A_439 = arith.index_cast %scan3A_214 : i32 to index
      %get3A_440 = arith.constant 32 : index
      %get3A_441 = tpu.vector_load %arg6[%get3A_438, %get3A_439, %get3A_440] {strides = array<i32>} : memref<8x128x64xf32, #tpu.memory_space<vmem>>, vector<1x1x16xf32>,
      %get3A_442 = vector.shape_cast %get3A_441 : vector<1x1x16xf32> to vector<16xf32>
      %mul3A_443 = arith.constant 8.000000e+00 : f32
      %mul3A_444 = vector.broadcast %mul3A_443 : f32 to vector<16xf32>
      %mul3A_445 = arith.mulf %get3A_442, %mul3A_444 : vector<16xf32>
      %swap3A_446 = arith.constant 7 : i32
      %swap3A_447 = arith.index_cast %swap3A_446 : i32 to index
      %swap3A_448 = arith.index_cast %scan3A_214 : i32 to index
      %swap3A_449 = arith.constant 32 : index
      %swap3A_450 = tpu.vector_load %arg6[%swap3A_447, %swap3A_448, %swap3A_449] {strides = array<i32>} : memref<8x128x64xf32, #tpu.memory_space<vmem>>, vector<1x1x16xf32>,
      %swap3A_451 = vector.shape_cast %swap3A_450 : vector<1x1x16xf32> to vector<16xf32>
      %swap3A_452 = vector.shape_cast %mul3A_445 : vector<16xf32> to vector<1x1x16xf32>
      tpu.vector_store %arg6[%swap3A_447, %swap3A_448, %swap3A_449], %swap3A_452 {strides = array<i32>} : memref<8x128x64xf32, #tpu.memory_space<vmem>>, vector<1x1x16xf32>,
      %get3A_453 = arith.constant 7 : i32
      %get3A_454 = arith.index_cast %get3A_453 : i32 to index
      %get3A_455 = arith.index_cast %scan3A_214 : i32 to index
      %get3A_456 = arith.constant 48 : index
      %get3A_457 = tpu.vector_load %arg6[%get3A_454, %get3A_455, %get3A_456] {strides = array<i32>} : memref<8x128x64xf32, #tpu.memory_space<vmem>>, vector<1x1x16xf32>,
      %get3A_458 = vector.shape_cast %get3A_457 : vector<1x1x16xf32> to vector<16xf32>
      %mul3A_459 = arith.constant 8.000000e+00 : f32
      %mul3A_460 = vector.broadcast %mul3A_459 : f32 to vector<16xf32>
      %mul3A_461 = arith.mulf %get3A_458, %mul3A_460 : vector<16xf32>
      %swap3A_462 = arith.constant 7 : i32
      %swap3A_463 = arith.index_cast %swap3A_462 : i32 to index
      %swap3A_464 = arith.index_cast %scan3A_214 : i32 to index
      %swap3A_465 = arith.constant 48 : index
      %swap3A_466 = tpu.vector_load %arg6[%swap3A_463, %swap3A_464, %swap3A_465] {strides = array<i32>} : memref<8x128x64xf32, #tpu.memory_space<vmem>>, vector<1x1x16xf32>,
      %swap3A_467 = vector.shape_cast %swap3A_466 : vector<1x1x16xf32> to vector<16xf32>
      %swap3A_468 = vector.shape_cast %mul3A_461 : vector<16xf32> to vector<1x1x16xf32>
      tpu.vector_store %arg6[%swap3A_463, %swap3A_464, %swap3A_465], %swap3A_468 {strides = array<i32>} : memref<8x128x64xf32, #tpu.memory_space<vmem>>, vector<1x1x16xf32>,
    }
    %scan3A_211 = arith.constant 128 : i32
    %add3A_212 = arith.constant 196 : i32
    %add3A_213 = arith.addi %mul3A_2, %add3A_212 : i32
    "tpu.region"() ({
      %run_scoped3A = tpu.sem_alloc : memref<!tpu.dma_semaphore, #tpu.memory_space<semaphore_mem>>
      %dma_start3A_214 = arith.constant 4 : i32
      %dma_start3A_215 = arith.constant 0 : i32
      %dma_start3A_216 = arith.constant 0 : i32
      %dma_start3A_217 = tpu.memref_slice %arg6[%dma_start3A_214, %dma_start3A_215, %dma_start3A_216] : memref<8x128x64xf32, #tpu.memory_space<vmem>> -> memref<4x128x64xf32, #tpu.memory_space<vmem>>
      %dma_start3A_218 = arith.constant 0 : i32
      %dma_start3A_219 = arith.constant 0 : i32
      %dma_start3A_220 = tpu.memref_slice %arg4[%add3A_213, %dma_start3A_218, %dma_start3A_219] : memref<6400x128x64xf32, #tpu.memory_space<hbm>> -> memref<4x128x64xf32, #tpu.memory_space<hbm>>
      %dma_start3A_221 = arith.constant 0 : i32
      %dma_start3A_222 = arith.constant 0 : i32
      %dma_start3A_223 = tpu.memref_slice %arg4[%add3A_213, %dma_start3A_221, %dma_start3A_222] : memref<6400x128x64xf32, #tpu.memory_space<hbm>> -> memref<4x128x64xf32, #tpu.memory_space<hbm>>
      %dma_start3A_224 = arith.constant 4 : i32
      %dma_start3A_225 = arith.constant 0 : i32
      %dma_start3A_226 = arith.constant 0 : i32
      %dma_start3A_227 = tpu.memref_slice %arg6[%dma_start3A_224, %dma_start3A_225, %dma_start3A_226] : memref<8x128x64xf32, #tpu.memory_space<vmem>> -> memref<4x128x64xf32, #tpu.memory_space<vmem>>
      tpu.enqueue_dma source(%dma_start3A_227 : memref<4x128x64xf32, #tpu.memory_space<vmem>>) target(%dma_start3A_223 : memref<4x128x64xf32, #tpu.memory_space<hbm>>) target_semaphore(%run_scoped3A : memref<!tpu.dma_semaphore, #tpu.memory_space<semaphore_mem>>)
      %dma_wait3A_228 = arith.constant 4 : i32
      %dma_wait3A_229 = arith.constant 0 : i32
      %dma_wait3A_230 = arith.constant 0 : i32
      %dma_wait3A_231 = tpu.memref_slice %arg6[%dma_wait3A_228, %dma_wait3A_229, %dma_wait3A_230] : memref<8x128x64xf32, #tpu.memory_space<vmem>> -> memref<4x128x64xf32, #tpu.memory_space<vmem>>
      %dma_wait3A_232 = arith.constant 0 : i32
      %dma_wait3A_233 = arith.constant 0 : i32
      %dma_wait3A_234 = tpu.memref_slice %arg4[%add3A_213, %dma_wait3A_232, %dma_wait3A_233] : memref<6400x128x64xf32, #tpu.memory_space<hbm>> -> memref<4x128x64xf32, #tpu.memory_space<hbm>>
      %dma_wait3A_235 = arith.constant 0 : i32
      %dma_wait3A_236 = arith.constant 0 : i32
      %dma_wait3A_237 = tpu.memref_slice %arg4[%add3A_213, %dma_wait3A_235, %dma_wait3A_236] : memref<6400x128x64xf32, #tpu.memory_space<hbm>> -> memref<4x128x64xf32, #tpu.memory_space<hbm>>
      %dma_wait3A_238 = arith.constant 4 : i32
      %dma_wait3A_239 = arith.constant 0 : i32
      %dma_wait3A_240 = arith.constant 0 : i32
      %dma_wait3A_241 = tpu.memref_slice %arg6[%dma_wait3A_238, %dma_wait3A_239, %dma_wait3A_240] : memref<8x128x64xf32, #tpu.memory_space<vmem>> -> memref<4x128x64xf32, #tpu.memory_space<vmem>>
      tpu.wait_dma2 semaphore(%run_scoped3A : memref<!tpu.dma_semaphore, #tpu.memory_space<semaphore_mem>>) src(%dma_wait3A_241 : memref<4x128x64xf32, #tpu.memory_space<vmem>>) dst(%dma_wait3A_237 : memref<4x128x64xf32, #tpu.memory_space<hbm>>)
      tpu.yield
    }) : () -> ()
    return
  }
}

</mosaic_0001>

<sc_bundles>
// kernel: kernel.3.cloned.1.call-start
scs
__scs_entry_jumppad:
0x0: {  	(pc) =	sbr.rel $0x88, $3  }
0x1: {  	(tag) =	ssettag $0x0;
	lr =	simm.s32 $0x1  }
0x2: {  	[smem:$0x3F9F] =	sst lr;
	_ =	strace $0xD0000000  }
0x3: {  	_ = 	snop  }
0x4: {  	_ = 	snop  }
0x5: {  	_ = 	snop  }
0x6: {  	_ = 	snop  }
0x7: {  	_ = 	snop  }
__scs_overlays_trampoline_lowered:
0x8: {  	[smem:$0x3FAE] =	sst s0  }
0x9: {  	[smem:$0x3FAF] =	sst s1  }
0xa: {  	[smem:$0x3FB0] =	sst s2  }
0xb: {  	[smem:$0x3FB1] =	sst s3  }
0xc: {  	[smem:$0x3FB2] =	sst s4  }
0xd: {  	[smem:$0x3FB3] =	sst s5  }
0xe: {  	[smem:$0x3FB4] =	sst s6  }
0xf: {  	[smem:$0x3FB5] =	sst s7  }
0x10: {  	[smem:$0x3FB6] =	sst s8  }
0x11: {  	[smem:$0x3FB7] =	sst s9;
	s0 =	simm.s32 @!p0 $0x0  }
0x12: {  	s1 =	sld [smem:$0x3F9D];
	s0 =	simm.s32 @p0 $0x1  }
0x13: {  	[smem:$0x3FB8] =	sst s0;
	s0 =	simm.s32 @!p1 $0x0  }
0x14: {  	s2 =	sld [smem:$0x3F9C];
	s0 =	simm.s32 @p1 $0x1  }
0x15: {  	[smem:$0x3FB9] =	sst s0;
	s0 =	simm.s32 @!p2 $0x0  }
0x16: {  	s3 =	sld [smem:$0x3FDB];
	s0 =	simm.s32 @p2 $0x1  }
0x17: {  	s4 =	simm.s32 $0x1BF5;
	[smem:$0x3FBB] =	sst s0  }
0x18: {  	s0 =	sld [smem:$0x3F9E];
	_ =	swait.ge [sflag:s4], $0x0  }
0x19: {  	s7 =	sld [smem:$0x3F9F]  }
0x1a: {  	s8 =	sadd.s32 $0xFFFFE003, lr  }
0x1b: {  	s9 =	sadd.s32 $0xFFFFFEF7, lr;
	s5 =	simm.s32 $0xFFFFFFFF;
	p2 =	slt.u32 s8, $0xFFFFF086  }
0x1c: {  	p1 =	slt.u32 s9, $0xF7A;
	s5 =	simm.s32 @!p2 $0x0  }
0x1d: {  	s5 =	simm.s32 @p1 $0x1;
	p0 =	seq.s32 s7, s2  }
0x1e: {  	s7 =	smul.u32 @!p0 $0xF7A, s2;
	p2 =	seq.s32 @!p0 s5, $0x0  }
0x1f: {  	s9 =	smul.u32 $0xF7A, s1;
	s8 =	simm.s32 @!p0 $0x1BF5;
	p2 =	por !p2, p0  }
0x20: {  	[sflag:s8] =	ssyncset.s32 @!p0 $0xFFFFF086;
	s6 =	sadd.s32 @!p0 s3, s7;
	s7 =	simm.s32 @!p0 $0x108  }
0x21: {  	s3 =	sadd.s32 s3, s9;
	s6 =	sadd.s32 @!p0 $0x88, s6;
	s7 =	simm.s32 @p2 $0x1082  }
0x22: {  	[simem:s7], [sflag:s8] =	dma.local @!p0 [hbm:s6], $0xF7A  }
0x23: {  	s9 =	sor.u32 $0xD0000000, s2;
	s6 =	simm.s32 $0x108;
	_ =	swait.ge @!p0 [sflag:s8], $0x0  }
0x24: {  	s3 =	sadd.s32 $0x88, s3;
	s6 =	simm.s32 @!p1 $0x1082;
	[sflag:s4] =	ssyncset.s32 $0xFFFFF086  }
0x25: {  	[simem:s6], [sflag:s4] =	dma.local [hbm:s3], $0xF7A  }
0x26: {  	[smem:$0x3F9F] =	sst s1;
	(tag) =	ssettag s2;
	_ =	strace s9  }
0x27: {  	s1 =	sld [smem:$0x3FAF]  }
0x28: {  	s2 =	sld [smem:$0x3FB0]  }
0x29: {  	s4 =	sld [smem:$0x3FB2]  }
0x2a: {  	p0 =	seq.s32 s5, $0x0;
	s5 =	sld [smem:$0x3FB3]  }
0x2b: {  	s6 =	sld [smem:$0x3FB4]  }
0x2c: {  	s7 =	sld [smem:$0x3FB5]  }
0x2d: {  	s3 =	simm.s32 $0x108;
	s8 =	sld [smem:$0x3FB6]  }
0x2e: {  	s3 =	simm.s32 @!p0 $0x1082;
	s9 =	sld [smem:$0x3FB7]  }
0x2f: {  	lr =	sadd.s32 s0, s3;
	s0 =	sld [smem:$0x3FAE]  }
0x30: {  	s3 =	sld [smem:$0x3FB1]  }
0x31: {  	[smem:$0x3FBA] =	sst s10  }
0x32: {  	s10 =	sld [smem:$0x3FB8];
	_ =	sdelay $0x3  }
0x33: {  	p0 =	seq.s32 s10, $0x1;
	s10 =	sld [smem:$0x3FBA];
	_ =	sdelay $0x3  }
0x34: {  	[smem:$0x3FBA] =	sst s10  }
0x35: {  	s10 =	sld [smem:$0x3FB9];
	_ =	sdelay $0x3  }
0x36: {  	p1 =	seq.s32 s10, $0x1;
	s10 =	sld [smem:$0x3FBA];
	_ =	sdelay $0x3  }
0x37: {  	[smem:$0x3FBA] =	sst s10  }
0x38: {  	s10 =	sld [smem:$0x3FBB]  }
0x39: {  	_ = 	snop;
	(pc) =	sbr.ind lr, $3  }
0x3a: {  	_ = 	snop  }
0x3b: {  	_ = 	snop  }
0x3c: {  	p2 =	seq.s32 s10, $0x1;
	s10 =	sld [smem:$0x3FBA]  }
0x3d: {  	_ =	shalt  }
0x3e: {  	_ =	shalt  }
0x3f: {  	_ =	shalt  }
0x40: {  	_ =	shalt  }
0x41: {  	_ =	shalt  }
0x42: {  	_ =	shalt  }
0x43: {  	_ =	shalt  }
0x44: {  	_ =	shalt  }
0x45: {  	_ =	shalt  }
0x46: {  	_ =	shalt  }
0x47: {  	_ =	shalt  }
0x48: {  	_ =	shalt  }
0x49: {  	_ =	shalt  }
0x4a: {  	_ =	shalt  }
0x4b: {  	_ =	shalt  }
0x4c: {  	_ =	shalt  }
0x4d: {  	_ =	shalt  }
0x4e: {  	_ =	shalt  }
0x4f: {  	_ =	shalt  }
0x50: {  	_ =	shalt  }
0x51: {  	_ =	shalt  }
0x52: {  	_ =	shalt  }
0x53: {  	_ =	shalt  }
0x54: {  	_ =	shalt  }
0x55: {  	_ =	shalt  }
0x56: {  	_ =	shalt  }
0x57: {  	_ =	shalt  }
0x58: {  	_ =	shalt  }
0x59: {  	_ =	shalt  }
0x5a: {  	_ =	shalt  }
0x5b: {  	_ =	shalt  }
0x5c: {  	_ =	shalt  }
0x5d: {  	_ =	shalt  }
0x5e: {  	_ =	shalt  }
0x5f: {  	_ =	shalt  }
0x60: {  	_ =	shalt  }
0x61: {  	_ =	shalt  }
0x62: {  	_ =	shalt  }
0x63: {  	_ =	shalt  }
0x64: {  	_ =	shalt  }
0x65: {  	_ =	shalt  }
0x66: {  	_ =	shalt  }
0x67: {  	_ =	shalt  }
0x68: {  	_ =	shalt  }
0x69: {  	_ =	shalt  }
0x6a: {  	_ =	shalt  }
0x6b: {  	_ =	shalt  }
0x6c: {  	_ =	shalt  }
0x6d: {  	_ =	shalt  }
0x6e: {  	_ =	shalt  }
0x6f: {  	_ =	shalt  }
0x70: {  	_ =	shalt  }
0x71: {  	_ =	shalt  }
0x72: {  	_ =	shalt  }
0x73: {  	_ =	shalt  }
0x74: {  	_ =	shalt  }
0x75: {  	_ =	shalt  }
0x76: {  	_ =	shalt  }
0x77: {  	_ =	shalt  }
0x78: {  	_ =	shalt  }
0x79: {  	_ =	shalt  }
0x7a: {  	_ =	shalt  }
0x7b: {  	_ =	shalt  }
0x7c: {  	_ =	shalt  }
0x7d: {  	_ =	shalt  }
0x7e: {  	_ =	shalt  }
0x7f: {  	_ =	shalt  }
0x80: {  	_ =	shalt  }
0x81: {  	_ =	shalt  }
0x82: {  	_ =	shalt  }
0x83: {  	_ =	shalt  }
0x84: {  	_ =	shalt  }
0x85: {  	_ =	shalt  }
0x86: {  	_ =	shalt  }
0x87: {  	_ =	shalt  }
.Lfunc_end0:
.L_simem_size_0:
called_computation.1_lowered:
.L_overlay_start_0:
0x88: {  	s2 =	sld [smem:$0x3FD9]  }
0x89: {  	s3 =	sld [smem:$0x3FFE];
	_ =	sdelay $0x1  }
0x8a: {  	s1 =	srdreg.scid  }
0x8b: {  	s0 =	sand.u32 $0x1, s1  }
0x8c: {  	s17 =	sshll.u32 s0, $0xA;
	s2 =	sadd.s32 s3, s2  }
0x8d: {  	s2 =	sadd.s32 s2, s17  }
0x8e: {  	[smem:$0x3FC6] =	sst s2  }
0x8f: {  	_ = 	snop  }
0x90: {  	s2 =	sld [smem:$0x3FD0];
	(tm) =	ssettm $0x1  }
0x91: {  	s18 =	sld [smem:$0x3FFB];
	_ =	sdelay $0x3  }
0x92: {  	_ =	strace s18  }
0x93: {  	s3 =	sld [smem:$0x3FFC];
	_ =	sdelay $0x3  }
0x94: {  	_ =	strace s3  }
0x95: {  	s3 =	sld [smem:$0x3FFD];
	_ =	sdelay $0x3  }
0x96: {  	_ =	strace s3  }
0x97: {  	_ =	strace $0x8FFFFFFF  }
0x98: {  	s19 =	sld [smem:$0x3FDB];
	_ =	sdelay $0x1  }
0x99: {  	s4 =	simm.s32 $_scs_section_size  }
0x9a: {  	s5 =	simm.s32 $_size__tile_overlayer_lowered;
	s6 =	simm.s32 $_tile_overlayer_lowered  }
0x9b: {  	s22 =	simm.s32 $0x1BFF;
	s21 =	sshll.u32 s6, $0x1;
	s3 =	sadd.s32 s4, s19  }
0x9c: {  	s7 =	simm.s32 $0x0;
	s20 =	sshll.u32 s5, $0x1;
	s5 =	sadd.s32 s21, s3  }
0x9d: {  	[timem:s7], [sflag:s22] =	dma.local [hbm:s5], s20  }
0x9e: {  	_ =	swait.ge [sflag:s22], s20  }
0x9f: {  	s4 =	ssub.s32 $0x0, s20;
	[sflag:s22] =	ssyncset.done $0x0  }
0xa0: {  	[sflag:s22] =	ssyncadd.s32 s4;
	_ =	sdelay $0x1  }
0xa1: {  	s23 =	simm.s32 $0x1B8B  }
0xa2: {  	_ =	swait.ge [sflag:s23], $0x1  }
0xa3: {  	[sflag:s23] =	ssyncset.done $0x0  }
0xa4: {  	s25 =	simm.s32 $0x1B8E;
	s24 =	sld [smem:$0x3FFE];
	[sflag:s23] =	ssyncadd.s32 $0xFFFFFFFF  }
0xa5: {  	s26 =	simm.s32 $execute0_lowered;
	[smem:$0x3FD2] =	sst s25  }
0xa6: {  	s5 =	sshll.u32 s26, $0x1;
	_ =	strace $0x80000046;
	[dreg:$0x1] =	wrdreg $0xFFFFFFFF  }
0xa7: {  	s28 =	simm.s32 $_size_execute0_lowered;
	s3 =	sadd.s32 s3, s5;
	[dreg:$0x0] =	wrdreg $0x0  }
0xa8: {  	s5 =	sshll.u32 s28, $0x1;
	[dreg:$0x2] =	wrdreg s3  }
0xa9: {  	[dreg:$0x3] =	wrdreg s5  }
0xaa: {  	[dreg:$0x4] =	wrdreg $0xC0  }
0xab: {  	_ =	task [dreg:s7], $0x5FFFF  }
0xac: {  	[dreg:$0x1] =	wrdreg $0xFFFFFFFF  }
0xad: {  	[dreg:$0x0] =	wrdreg $0x60  }
0xae: {  	[dreg:$0x2] =	wrdreg s24  }
0xaf: {  	[dreg:$0x3] =	wrdreg s2  }
0xb0: {  	[dreg:$0x4] =	wrdreg $0x9  }
0xb1: {  	_ =	task.clear_ibuf [dreg:s7], $0x5FFFF;
	_ =	strace $0x90000046  }
0xb2: {  	s29 =	simm.s32 $0x9;
	_ =	strace $0x80000048  }
0xb3: {  	_ =	swait.ge [sflag:s29], $0x1  }
0xb4: {  	[sflag:s29] =	ssyncadd.s32 $0xFFFFFFFF  }
0xb5: {  	_ =	strace $0x90000048  }
0xb6: {  	_ =	sfence  }
0xb7: {  	s30 =	sld [smem:$0x0];
	_ =	sdelay $0x2  }
0xb8: {  	s31 =	sshll.u32 s1, $0xD;
	s1 =	sshrl.u32 s1, $0x2  }
0xb9: {  	s3 =	sand.u32 $0x4000, s31;
	s1 =	sadd.s32 s1, s30  }
0xba: {  	s0 =	sor.u32 s3, s0;
	s1 =	sshll.u32 s1, $0x11  }
0xbb: {  	s0 =	sor.u32 s1, s0  }
0xbc: {  	s0 =	sadd.s32 $0x8F2B, s0  }
0xbd: {  	[sflag:s0] =	ssyncadd.remote.s32 $0x1  }
0xbe: {  	_ =	sfence.sel $0xFFFF  }
0xbf: {  	[dreg:$0x0] =	wrdreg $0xFFFFFFFF;
	(pc) =	sbr.abs _section_cstart, $3  }
0xc0: {  	[dreg:$0x1] =	wrdreg $0xFFFFFFFF  }
0xc1: {  	_ =	task.clear_ibuf [dreg:s7], $0x2FFFF;
	_ =	strace $0x9FFFFFFF  }
0xc2: {  	(tm) =	ssettm $0x7FFFFFFF  }
0xc3: {  	_ =	shalt  }
tec
execute0_lowered:
.L_overlay_start_1:
0x0: {  	(tag) =	ssettag $0x1  }
0x1: {  	s0 =	srdreg.scid  }
0x2: {  	s2 =	stileid.u32;
	s1 =	rddreg [dreg:$0x0];
	s11 =	simm.s32 $0x2  }
0x3: {  	s12 =	simm.s32 $0x80;
	s13 =	simm.s32 $0x6400;
	s14 =	simm.s32 $0x8400  }
0x4: {  	s16 =	simm.s32 $0xA400;
	s18 =	simm.s32 $0xC400;
	s19 =	simm.s32 $0xE400  }
0x5: {  	s20 =	simm.s32 $0x10400;
	s21 =	simm.s32 $0x12400;
	s22 =	simm.s32 $0x14400  }
0x6: {  	s23 =	simm.s32 $0x1;
	s24 =	simm.s32 $0x6200;
	s25 =	simm.s32 $0x6280  }
0x7: {  	s26 =	simm.s32 $0x6300;
	s0 =	sand.u32 $0x1, s0;
	s3 =	sshll.u32 s2, $0x1  }
0x8: {  	s28 =	simm.s32 $0x6380;
	s29 =	simm.s32 $0x0;
	s6 =	sor.u32 s0, s3  }
0x9: {  	s2 =	rddreg [dreg:$0x1];
	s3 =	simm.s32 $0x0;
	s5 =	smul.u32 $0xC80, s6  }
0xa: {  	s0 =	ssub.s32 $0x2, s0;
	[smem:$0x7FF] =	sst s3;
	s4 =	smul.u32 $0x190000, s6  }
0xb: {  	s8 =	sshrl.u32 s0, $0x1;
	s6 =	smul.u32 $0xC8, s6;
	_ =	strace $0x80000047  }
0xc: {  	s0 =	ssub.s32 s0, s8;
	s7 =	sadd.s32 s5, s1;
	s31 =	sshrl.u32 s4, $0x3  }
0xd: {  	s5 =	sadd.s32 $0xF42E00, s1;
	s10 =	smax.u32 s0, $0x1;
	s1 =	sadd.s32 s2, s31  }
0xe: {  	s7 =	sadd.s32 $0xA00, s7;
	s8 =	sadd.s32 $0x30000, s1;
	s9 =	sadd.s32 $0x31000, s1  }
.LBB2_1:
0xf: {  	[tilespmem:s3], [sflag:$0x2] =	stream.linear.gather [hbm4b:s7+s3], $0x6400, $0x38;
	[tilespmem:$0x16400] =	vst v63  }
0x10: {  	_ =	swait.ge [sflag:s11], $0x6400  }
0x11: {  	[sflag:s11] =	ssyncset.done $0x0  }
0x12: {  	[sflag:s11] =	ssyncadd.s32 $0xFFFF9C00  }
0x13: {  	[tilespmem:s13], [sflag:$0x1] =	stream.indirect.gather [hbm4b:s5+s12], $0x40, s3, s12, $0xb8;
	[tilespmem:$0x16400] =	vst v63  }
0x14: {  	_ = 	snop  }
0x15: {  	[tilespmem:s14], [sflag:$0x1] =	stream.indirect.gather [hbm4b:s5+s12], $0x40, s12, s12, $0xb8;
	[tilespmem:$0x16400] =	vst v63  }
0x16: {  	s0 =	simm.s32 $0x100  }
0x17: {  	[tilespmem:s16], [sflag:$0x1] =	stream.indirect.gather [hbm4b:s5+s12], $0x40, s0, s12, $0xb8;
	[tilespmem:$0x16400] =	vst v63  }
0x18: {  	s31 =	simm.s32 $0x180;
	s30 =	simm.s32 $0x0  }
0x19: {  	[tilespmem:s18], [sflag:$0x1] =	stream.indirect.gather [hbm4b:s5+s12], $0x40, s31, s12, $0xb8;
	[tilespmem:$0x16400] =	vst v63  }
.LBB2_2:
0x1a: {  	s0 =	sshll.u32 s30, $0x3  }
0x1b: {  	s31 =	sor.u32 $0x4, s0  }
0x1c: {  	s1 =	sshll.u32 s30, $0xA;
	s0 =	sshll.u32 s31, $0x7  }
0x1d: {  	s1 =	sand.u32 $0x3FFFFC00, s1;
	s0 =	sand.u32 $0x3FFFFE00, s0  }
0x1e: {  	[tilespmem:s19], [sflag:$0x1] =	stream.indirect.gather [hbm4b:s5+s12], $0x40, s0, s12, $0xb8;
	[tilespmem:$0x16400] =	vst v63  }
0x1f: {  	s0 =	sor.u32 $0x280, s1  }
0x20: {  	[tilespmem:s20], [sflag:$0x1] =	stream.indirect.gather [hbm4b:s5+s12], $0x40, s0, s12, $0xb8;
	[tilespmem:$0x16400] =	vst v63  }
0x21: {  	s15 =	sor.u32 $0x300, s1  }
0x22: {  	[tilespmem:s21], [sflag:$0x1] =	stream.indirect.gather [hbm4b:s5+s12], $0x40, s15, s12, $0xb8;
	[tilespmem:$0x16400] =	vst v63  }
0x23: {  	s17 =	sor.u32 $0x380, s1  }
0x24: {  	[tilespmem:s22], [sflag:$0x1] =	stream.indirect.gather [hbm4b:s5+s12], $0x40, s17, s12, $0xb8;
	[tilespmem:$0x16400] =	vst v63  }
0x25: {  	_ =	swait.ge [sflag:s23], $0x2000  }
0x26: {  	[sflag:s23] =	ssyncset.done $0x0  }
0x27: {  	[sflag:s23] =	ssyncadd.s32 $0xFFFFE000  }
0x28: {  	_ =	swait.ge [sflag:s23], $0x2000  }
0x29: {  	[sflag:s23] =	ssyncset.done $0x0  }
0x2a: {  	[sflag:s23] =	ssyncadd.s32 $0xFFFFE000  }
0x2b: {  	_ =	swait.ge [sflag:s23], $0x2000  }
0x2c: {  	[sflag:s23] =	ssyncset.done $0x0  }
0x2d: {  	[sflag:s23] =	ssyncadd.s32 $0xFFFFE000  }
0x2e: {  	_ =	swait.ge [sflag:s23], $0x2000  }
0x2f: {  	[sflag:s23] =	ssyncset.done $0x0  }
0x30: {  	s0 =	simm.s32 $0x0;
	[sflag:s23] =	ssyncadd.s32 $0xFFFFE000  }
0x31: {  	v0 =	vld [tilespmem:s0+$0x6400]  }
0x32: {  	v1 =	vld [tilespmem:s0+$0x6410]  }
0x33: {  	v2 =	vld [tilespmem:s0+$0x6420]  }
0x34: {  	v3 =	vld [tilespmem:s0+$0x6430]  }
0x35: {  	v4 =	vld [tilespmem:s0+$0x8400]  }
0x36: {  	v5 =	vld [tilespmem:s0+$0x8410];
	v0 =	vmul.f32 $8.000000000e+00, v0  }
0x37: {  	v6 =	vld [tilespmem:s0+$0x8420];
	v1 =	vmul.f32 $8.000000000e+00, v1  }
0x38: {  	v7 =	vld [tilespmem:s0+$0x8430];
	[tilespmem:s0+$0x6400] =	vst v0;
	v0 =	vmul.f32 $8.000000000e+00, v2  }
0x39: {  	v8 =	vld [tilespmem:s0+$0xA400];
	[tilespmem:s0+$0x6410] =	vst v1;
	v1 =	vmul.f32 $8.000000000e+00, v3  }
0x3a: {  	v9 =	vld [tilespmem:s0+$0xA410];
	[tilespmem:s0+$0x6420] =	vst v0;
	v0 =	vmul.f32 $8.000000000e+00, v4  }
0x3b: {  	v2 =	vmul.f32 $8.000000000e+00, v5;
	[tilespmem:s0+$0x6430] =	vst v1;
	v1 =	vld [tilespmem:s0+$0xA420]  }
0x3c: {  	v3 =	vmul.f32 $8.000000000e+00, v6;
	[tilespmem:s0+$0x8400] =	vst v0;
	v0 =	vld [tilespmem:s0+$0xA430]  }
0x3d: {  	[tilespmem:s0+$0x8410] =	vst v2;
	v2 =	vld [tilespmem:s0+$0xC400];
	v4 =	vmul.f32 $8.000000000e+00, v7  }
0x3e: {  	v6 =	vmul.f32 $8.000000000e+00, v8;
	[tilespmem:s0+$0x8420] =	vst v3;
	v3 =	vld [tilespmem:s0+$0xC410]  }
0x3f: {  	s15 =	simm.s32 $0x100;
	v5 =	vmul.f32 $8.000000000e+00, v9;
	[tilespmem:s0+$0x8430] =	vst v4;
	v4 =	vld [tilespmem:s0+$0xC420]  }
.LBB2_3:
0x40: {  	s17 =	sshra.s32 s15, $0x2;
	p0 =	sne.s32 s15, $0x7F00;
	[tilespmem:s0+$0xA400] =	vst v6;
	v1 =	vmul.f32 $8.000000000e+00, v1;
	v6 =	vld [tilespmem:s0+$0xC430]  }
0x41: {  	v7 =	vld [tilespmem:s17+$0x6400];
	[tilespmem:s0+$0xA410] =	vst v5;
	v0 =	vmul.f32 $8.000000000e+00, v0  }
0x42: {  	v5 =	vld [tilespmem:s17+$0x6410];
	[tilespmem:s0+$0xA420] =	vst v1;
	v1 =	vmul.f32 $8.000000000e+00, v2  }
0x43: {  	v2 =	vld [tilespmem:s17+$0x6420];
	[tilespmem:s0+$0xA430] =	vst v0;
	v0 =	vmul.f32 $8.000000000e+00, v3  }
0x44: {  	v3 =	vld [tilespmem:s17+$0x6430];
	[tilespmem:s0+$0xC400] =	vst v1;
	v1 =	vmul.f32 $8.000000000e+00, v4  }
0x45: {  	v4 =	vld [tilespmem:s17+$0x8400];
	[tilespmem:s0+$0xC410] =	vst v0;
	v0 =	vmul.f32 $8.000000000e+00, v6  }
0x46: {  	v6 =	vmul.f32 $8.000000000e+00, v7;
	v7 =	vld [tilespmem:s17+$0x8410];
	[tilespmem:s0+$0xC420] =	vst v1  }
0x47: {  	v1 =	vmul.f32 $8.000000000e+00, v5;
	v5 =	vld [tilespmem:s17+$0x8420];
	[tilespmem:s0+$0xC430] =	vst v0;
	s0 =	smov.u32 s17  }
0x48: {  	[tilespmem:s0+$0x6400] =	vst v6;
	v0 =	vmul.f32 $8.000000000e+00, v2;
	v2 =	vld [tilespmem:s0+$0x8430]  }
0x49: {  	[tilespmem:s0+$0x6410] =	vst v1;
	v1 =	vmul.f32 $8.000000000e+00, v3;
	v3 =	vld [tilespmem:s0+$0xA400]  }
0x4a: {  	[tilespmem:s0+$0x6420] =	vst v0;
	v0 =	vmul.f32 $8.000000000e+00, v4;
	v4 =	vld [tilespmem:s0+$0xA410]  }
.Ltmp0:
0x4b: {  	[tilespmem:s0+$0x6430] =	vst v1;
	v6 =	vmul.f32 $8.000000000e+00, v7;
	v1 =	vld [tilespmem:s0+$0xA420];
	(pc) =	sbr.rel @p0 .LBB2_3-.Ltmp0, $4  }
0x4c: {  	[tilespmem:s0+$0x8400] =	vst v0;
	v5 =	vmul.f32 $8.000000000e+00, v5;
	v0 =	vld [tilespmem:s0+$0xA430]  }
0x4d: {  	[tilespmem:s0+$0x8410] =	vst v6;
	v7 =	vmul.f32 $8.000000000e+00, v2;
	v2 =	vld [tilespmem:s0+$0xC400]  }
0x4e: {  	[tilespmem:s0+$0x8420] =	vst v5;
	v6 =	vmul.f32 $8.000000000e+00, v3;
	v3 =	vld [tilespmem:s0+$0xC410]  }
0x4f: {  	s15 =	sadd.s32 $0x100, s15;
	[tilespmem:s0+$0x8430] =	vst v7;
	v5 =	vmul.f32 $8.000000000e+00, v4;
	v4 =	vld [tilespmem:s0+$0xC420]  }
0x50: {  	[tilespmem:s0+$0xA400] =	vst v6;
	v1 =	vmul.f32 $8.000000000e+00, v1;
	v6 =	vld [tilespmem:s0+$0xC430]  }
0x51: {  	[tilespmem:s0+$0xA410] =	vst v5;
	v0 =	vmul.f32 $8.000000000e+00, v0  }
0x52: {  	[tilespmem:s0+$0xA420] =	vst v1;
	v1 =	vmul.f32 $8.000000000e+00, v2  }
0x53: {  	[tilespmem:s0+$0xA430] =	vst v0;
	v0 =	vmul.f32 $8.000000000e+00, v3  }
0x54: {  	s15 =	sshll.u32 s30, $0x10;
	[tilespmem:s0+$0xC400] =	vst v1;
	v1 =	vmul.f32 $8.000000000e+00, v4  }
0x55: {  	s15 =	sadd.s32 s4, s15;
	[tilespmem:s0+$0xC410] =	vst v0;
	v0 =	vmul.f32 $8.000000000e+00, v6  }
0x56: {  	s15 =	sshrl.u32 s15, $0x3;
	[tilespmem:s0+$0xC420] =	vst v1  }
0x57: {  	s17 =	simm.s32 $0x0;
	s15 =	sadd.s32 s2, s15;
	[tilespmem:s0+$0xC430] =	vst v0  }
0x58: {  	[hbm4b:s15+s17] =	stream.linear.scatter [tilespmem:s13], [sflag:$0x2], $0x8000, $0x38;
	[tilespmem:$0x16400] =	vst v63  }
0x59: {  	_ =	swait.ge [sflag:s11], $0x8000  }
0x5a: {  	[sflag:s11] =	ssyncset.done $0x0  }
0x5b: {  	s15 =	sadd.s32 $0x400, s1;
	[sflag:s11] =	ssyncadd.s32 $0xFFFF8000  }
0x5c: {  	[tilespmem:s13], [sflag:$0x1] =	stream.indirect.gather [hbm4b:s5+s12], $0x40, s15, s12, $0xb8;
	[tilespmem:$0x16400] =	vst v63  }
0x5d: {  	s17 =	sadd.s32 $0x480, s1  }
0x5e: {  	[tilespmem:s14], [sflag:$0x1] =	stream.indirect.gather [hbm4b:s5+s12], $0x40, s17, s12, $0xb8;
	[tilespmem:$0x16400] =	vst v63  }
0x5f: {  	s15 =	sadd.s32 $0x500, s1  }
0x60: {  	[tilespmem:s16], [sflag:$0x1] =	stream.indirect.gather [hbm4b:s5+s12], $0x40, s15, s12, $0xb8;
	[tilespmem:$0x16400] =	vst v63  }
0x61: {  	s17 =	sadd.s32 $0x580, s1  }
0x62: {  	[tilespmem:s18], [sflag:$0x1] =	stream.indirect.gather [hbm4b:s5+s12], $0x40, s17, s12, $0xb8;
	[tilespmem:$0x16400] =	vst v63  }
0x63: {  	_ =	swait.ge [sflag:s23], $0x2000  }
0x64: {  	[sflag:s23] =	ssyncset.done $0x0  }
0x65: {  	[sflag:s23] =	ssyncadd.s32 $0xFFFFE000  }
0x66: {  	_ =	swait.ge [sflag:s23], $0x2000  }
0x67: {  	[sflag:s23] =	ssyncset.done $0x0  }
0x68: {  	[sflag:s23] =	ssyncadd.s32 $0xFFFFE000  }
0x69: {  	_ =	swait.ge [sflag:s23], $0x2000  }
0x6a: {  	[sflag:s23] =	ssyncset.done $0x0  }
0x6b: {  	[sflag:s23] =	ssyncadd.s32 $0xFFFFE000  }
0x6c: {  	_ =	swait.ge [sflag:s23], $0x2000  }
0x6d: {  	[sflag:s23] =	ssyncset.done $0x0  }
0x6e: {  	s0 =	simm.s32 $0x0;
	[sflag:s23] =	ssyncadd.s32 $0xFFFFE000  }
0x6f: {  	v0 =	vld [tilespmem:s0+$0xE400]  }
0x70: {  	v1 =	vld [tilespmem:s0+$0xE410]  }
0x71: {  	v2 =	vld [tilespmem:s0+$0xE420]  }
0x72: {  	v3 =	vld [tilespmem:s0+$0xE430]  }
0x73: {  	v4 =	vld [tilespmem:s0+$0x10400]  }
0x74: {  	v5 =	vld [tilespmem:s0+$0x10410];
	v0 =	vmul.f32 $8.000000000e+00, v0  }
0x75: {  	v6 =	vld [tilespmem:s0+$0x10420];
	v1 =	vmul.f32 $8.000000000e+00, v1  }
0x76: {  	v7 =	vld [tilespmem:s0+$0x10430];
	[tilespmem:s0+$0xE400] =	vst v0;
	v0 =	vmul.f32 $8.000000000e+00, v2  }
0x77: {  	v8 =	vld [tilespmem:s0+$0x12400];
	[tilespmem:s0+$0xE410] =	vst v1;
	v1 =	vmul.f32 $8.000000000e+00, v3  }
0x78: {  	v9 =	vld [tilespmem:s0+$0x12410];
	[tilespmem:s0+$0xE420] =	vst v0;
	v0 =	vmul.f32 $8.000000000e+00, v4  }
0x79: {  	v2 =	vmul.f32 $8.000000000e+00, v5;
	[tilespmem:s0+$0xE430] =	vst v1;
	v1 =	vld [tilespmem:s0+$0x12420]  }
0x7a: {  	v3 =	vmul.f32 $8.000000000e+00, v6;
	[tilespmem:s0+$0x10400] =	vst v0;
	v0 =	vld [tilespmem:s0+$0x12430]  }
0x7b: {  	[tilespmem:s0+$0x10410] =	vst v2;
	v2 =	vld [tilespmem:s0+$0x14400];
	v4 =	vmul.f32 $8.000000000e+00, v7  }
0x7c: {  	v6 =	vmul.f32 $8.000000000e+00, v8;
	[tilespmem:s0+$0x10420] =	vst v3;
	v3 =	vld [tilespmem:s0+$0x14410]  }
0x7d: {  	s1 =	simm.s32 $0x100;
	v5 =	vmul.f32 $8.000000000e+00, v9;
	[tilespmem:s0+$0x10430] =	vst v4;
	v4 =	vld [tilespmem:s0+$0x14420]  }
.LBB2_5:
0x7e: {  	s15 =	sshra.s32 s1, $0x2;
	p0 =	sne.s32 s1, $0x7F00;
	[tilespmem:s0+$0x12400] =	vst v6;
	v1 =	vmul.f32 $8.000000000e+00, v1;
	v6 =	vld [tilespmem:s0+$0x14430]  }
0x7f: {  	v7 =	vld [tilespmem:s15+$0xE400];
	[tilespmem:s0+$0x12410] =	vst v5;
	v0 =	vmul.f32 $8.000000000e+00, v0  }
0x80: {  	v5 =	vld [tilespmem:s15+$0xE410];
	[tilespmem:s0+$0x12420] =	vst v1;
	v1 =	vmul.f32 $8.000000000e+00, v2  }
0x81: {  	v2 =	vld [tilespmem:s15+$0xE420];
	[tilespmem:s0+$0x12430] =	vst v0;
	v0 =	vmul.f32 $8.000000000e+00, v3  }
0x82: {  	v3 =	vld [tilespmem:s15+$0xE430];
	[tilespmem:s0+$0x14400] =	vst v1;
	v1 =	vmul.f32 $8.000000000e+00, v4  }
0x83: {  	v4 =	vld [tilespmem:s15+$0x10400];
	[tilespmem:s0+$0x14410] =	vst v0;
	v0 =	vmul.f32 $8.000000000e+00, v6  }
0x84: {  	v6 =	vmul.f32 $8.000000000e+00, v7;
	v7 =	vld [tilespmem:s15+$0x10410];
	[tilespmem:s0+$0x14420] =	vst v1  }
0x85: {  	v1 =	vmul.f32 $8.000000000e+00, v5;
	v5 =	vld [tilespmem:s15+$0x10420];
	[tilespmem:s0+$0x14430] =	vst v0;
	s0 =	smov.u32 s15  }
0x86: {  	[tilespmem:s0+$0xE400] =	vst v6;
	v0 =	vmul.f32 $8.000000000e+00, v2;
	v2 =	vld [tilespmem:s0+$0x10430]  }
0x87: {  	[tilespmem:s0+$0xE410] =	vst v1;
	v1 =	vmul.f32 $8.000000000e+00, v3;
	v3 =	vld [tilespmem:s0+$0x12400]  }
0x88: {  	[tilespmem:s0+$0xE420] =	vst v0;
	v0 =	vmul.f32 $8.000000000e+00, v4;
	v4 =	vld [tilespmem:s0+$0x12410]  }
.Ltmp1:
0x89: {  	[tilespmem:s0+$0xE430] =	vst v1;
	v6 =	vmul.f32 $8.000000000e+00, v7;
	v1 =	vld [tilespmem:s0+$0x12420];
	(pc) =	sbr.rel @p0 .LBB2_5-.Ltmp1, $4  }
0x8a: {  	[tilespmem:s0+$0x10400] =	vst v0;
	v5 =	vmul.f32 $8.000000000e+00, v5;
	v0 =	vld [tilespmem:s0+$0x12430]  }
0x8b: {  	[tilespmem:s0+$0x10410] =	vst v6;
	v7 =	vmul.f32 $8.000000000e+00, v2;
	v2 =	vld [tilespmem:s0+$0x14400]  }
0x8c: {  	[tilespmem:s0+$0x10420] =	vst v5;
	v6 =	vmul.f32 $8.000000000e+00, v3;
	v3 =	vld [tilespmem:s0+$0x14410]  }
0x8d: {  	s1 =	sadd.s32 $0x100, s1;
	[tilespmem:s0+$0x10430] =	vst v7;
	v5 =	vmul.f32 $8.000000000e+00, v4;
	v4 =	vld [tilespmem:s0+$0x14420]  }
0x8e: {  	[tilespmem:s0+$0x12400] =	vst v6;
	v1 =	vmul.f32 $8.000000000e+00, v1;
	v59 =	vld [tilespmem:s0+$0x14430]  }
0x8f: {  	[tilespmem:s0+$0x12410] =	vst v5;
	v0 =	vmul.f32 $8.000000000e+00, v0  }
0x90: {  	[tilespmem:s0+$0x12420] =	vst v1;
	v60 =	vmul.f32 $8.000000000e+00, v2  }
0x91: {  	[tilespmem:s0+$0x12430] =	vst v0;
	v61 =	vmul.f32 $8.000000000e+00, v3  }
0x92: {  	s1 =	sadd.s32 s6, s31;
	[tilespmem:s0+$0x14400] =	vst v60;
	v62 =	vmul.f32 $8.000000000e+00, v4  }
0x93: {  	s30 =	sadd.s32 $0x1, s30;
	s1 =	sshll.u32 s1, $0xA;
	[tilespmem:s0+$0x14410] =	vst v61;
	v63 =	vmul.f32 $8.000000000e+00, v59  }
0x94: {  	p0 =	sne.s32 s30, $0x18;
	s1 =	sand.u32 $0x1FFFF000, s1;
	[tilespmem:s0+$0x14420] =	vst v62  }
.Ltmp2:
0x95: {  	s31 =	sadd.s32 s2, s1;
	[tilespmem:s0+$0x14430] =	vst v63;
	(pc) =	sbr.rel @p0 .LBB2_2-.Ltmp2, $4  }
0x96: {  	[hbm4b:s31+s3] =	stream.linear.scatter [tilespmem:s19], [sflag:$0x2], $0x8000, $0x38;
	[tilespmem:$0x16400] =	vst v63  }
0x97: {  	_ =	swait.ge [sflag:s11], $0x8000  }
0x98: {  	[sflag:s11] =	ssyncset.done $0x0  }
0x99: {  	[sflag:s11] =	ssyncadd.s32 $0xFFFF8000  }
0x9a: {  	[tilespmem:s19], [sflag:$0x1] =	stream.indirect.gather [hbm4b:s5+s12], $0x40, s24, s12, $0xb8;
	[tilespmem:$0x16400] =	vst v63  }
0x9b: {  	_ = 	snop  }
0x9c: {  	[tilespmem:s20], [sflag:$0x1] =	stream.indirect.gather [hbm4b:s5+s12], $0x40, s25, s12, $0xb8;
	[tilespmem:$0x16400] =	vst v63  }
0x9d: {  	_ = 	snop  }
0x9e: {  	[tilespmem:s21], [sflag:$0x1] =	stream.indirect.gather [hbm4b:s5+s12], $0x40, s26, s12, $0xb8;
	[tilespmem:$0x16400] =	vst v63  }
0x9f: {  	_ = 	snop  }
0xa0: {  	[tilespmem:s22], [sflag:$0x1] =	stream.indirect.gather [hbm4b:s5+s12], $0x40, s28, s12, $0xb8;
	[tilespmem:$0x16400] =	vst v63  }
0xa1: {  	_ =	swait.ge [sflag:s23], $0x2000  }
0xa2: {  	[sflag:s23] =	ssyncset.done $0x0  }
0xa3: {  	[sflag:s23] =	ssyncadd.s32 $0xFFFFE000  }
0xa4: {  	_ =	swait.ge [sflag:s23], $0x2000  }
0xa5: {  	[sflag:s23] =	ssyncset.done $0x0  }
0xa6: {  	[sflag:s23] =	ssyncadd.s32 $0xFFFFE000  }
0xa7: {  	_ =	swait.ge [sflag:s23], $0x2000  }
0xa8: {  	[sflag:s23] =	ssyncset.done $0x0  }
0xa9: {  	[sflag:s23] =	ssyncadd.s32 $0xFFFFE000  }
0xaa: {  	_ =	swait.ge [sflag:s23], $0x2000  }
0xab: {  	[sflag:s23] =	ssyncset.done $0x0  }
0xac: {  	s0 =	simm.s32 $0x0;
	[sflag:s23] =	ssyncadd.s32 $0xFFFFE000  }
0xad: {  	v0 =	vld [tilespmem:s0+$0x6400]  }
0xae: {  	v1 =	vld [tilespmem:s0+$0x6410]  }
0xaf: {  	v2 =	vld [tilespmem:s0+$0x6420]  }
0xb0: {  	v3 =	vld [tilespmem:s0+$0x6430]  }
0xb1: {  	v4 =	vld [tilespmem:s0+$0x8400]  }
0xb2: {  	v5 =	vld [tilespmem:s0+$0x8410];
	v0 =	vmul.f32 $8.000000000e+00, v0  }
0xb3: {  	v6 =	vld [tilespmem:s0+$0x8420];
	v1 =	vmul.f32 $8.000000000e+00, v1  }
0xb4: {  	v7 =	vld [tilespmem:s0+$0x8430];
	[tilespmem:s0+$0x6400] =	vst v0;
	v0 =	vmul.f32 $8.000000000e+00, v2  }
0xb5: {  	v8 =	vld [tilespmem:s0+$0xA400];
	[tilespmem:s0+$0x6410] =	vst v1;
	v1 =	vmul.f32 $8.000000000e+00, v3  }
0xb6: {  	v9 =	vld [tilespmem:s0+$0xA410];
	[tilespmem:s0+$0x6420] =	vst v0;
	v0 =	vmul.f32 $8.000000000e+00, v4  }
0xb7: {  	v2 =	vmul.f32 $8.000000000e+00, v5;
	[tilespmem:s0+$0x6430] =	vst v1;
	v1 =	vld [tilespmem:s0+$0xA420]  }
0xb8: {  	v3 =	vmul.f32 $8.000000000e+00, v6;
	[tilespmem:s0+$0x8400] =	vst v0;
	v0 =	vld [tilespmem:s0+$0xA430]  }
0xb9: {  	[tilespmem:s0+$0x8410] =	vst v2;
	v2 =	vld [tilespmem:s0+$0xC400];
	v4 =	vmul.f32 $8.000000000e+00, v7  }
0xba: {  	v6 =	vmul.f32 $8.000000000e+00, v8;
	[tilespmem:s0+$0x8420] =	vst v3;
	v3 =	vld [tilespmem:s0+$0xC410]  }
0xbb: {  	s1 =	simm.s32 $0x100;
	v5 =	vmul.f32 $8.000000000e+00, v9;
	[tilespmem:s0+$0x8430] =	vst v4;
	v4 =	vld [tilespmem:s0+$0xC420]  }
.LBB2_8:
0xbc: {  	s15 =	sshra.s32 s1, $0x2;
	p0 =	sne.s32 s1, $0x7F00;
	[tilespmem:s0+$0xA400] =	vst v6;
	v1 =	vmul.f32 $8.000000000e+00, v1;
	v6 =	vld [tilespmem:s0+$0xC430]  }
0xbd: {  	v7 =	vld [tilespmem:s15+$0x6400];
	[tilespmem:s0+$0xA410] =	vst v5;
	v0 =	vmul.f32 $8.000000000e+00, v0  }
0xbe: {  	v5 =	vld [tilespmem:s15+$0x6410];
	[tilespmem:s0+$0xA420] =	vst v1;
	v1 =	vmul.f32 $8.000000000e+00, v2  }
0xbf: {  	v2 =	vld [tilespmem:s15+$0x6420];
	[tilespmem:s0+$0xA430] =	vst v0;
	v0 =	vmul.f32 $8.000000000e+00, v3  }
0xc0: {  	v3 =	vld [tilespmem:s15+$0x6430];
	[tilespmem:s0+$0xC400] =	vst v1;
	v1 =	vmul.f32 $8.000000000e+00, v4  }
0xc1: {  	v4 =	vld [tilespmem:s15+$0x8400];
	[tilespmem:s0+$0xC410] =	vst v0;
	v0 =	vmul.f32 $8.000000000e+00, v6  }
0xc2: {  	v6 =	vmul.f32 $8.000000000e+00, v7;
	v7 =	vld [tilespmem:s15+$0x8410];
	[tilespmem:s0+$0xC420] =	vst v1  }
0xc3: {  	v1 =	vmul.f32 $8.000000000e+00, v5;
	v5 =	vld [tilespmem:s15+$0x8420];
	[tilespmem:s0+$0xC430] =	vst v0;
	s0 =	smov.u32 s15  }
0xc4: {  	[tilespmem:s0+$0x6400] =	vst v6;
	v0 =	vmul.f32 $8.000000000e+00, v2;
	v2 =	vld [tilespmem:s0+$0x8430]  }
0xc5: {  	[tilespmem:s0+$0x6410] =	vst v1;
	v1 =	vmul.f32 $8.000000000e+00, v3;
	v3 =	vld [tilespmem:s0+$0xA400]  }
0xc6: {  	[tilespmem:s0+$0x6420] =	vst v0;
	v0 =	vmul.f32 $8.000000000e+00, v4;
	v4 =	vld [tilespmem:s0+$0xA410]  }
.Ltmp3:
0xc7: {  	[tilespmem:s0+$0x6430] =	vst v1;
	v6 =	vmul.f32 $8.000000000e+00, v7;
	v1 =	vld [tilespmem:s0+$0xA420];
	(pc) =	sbr.rel @p0 .LBB2_8-.Ltmp3, $4  }
0xc8: {  	[tilespmem:s0+$0x8400] =	vst v0;
	v5 =	vmul.f32 $8.000000000e+00, v5;
	v0 =	vld [tilespmem:s0+$0xA430]  }
0xc9: {  	[tilespmem:s0+$0x8410] =	vst v6;
	v7 =	vmul.f32 $8.000000000e+00, v2;
	v2 =	vld [tilespmem:s0+$0xC400]  }
0xca: {  	[tilespmem:s0+$0x8420] =	vst v5;
	v6 =	vmul.f32 $8.000000000e+00, v3;
	v3 =	vld [tilespmem:s0+$0xC410]  }
0xcb: {  	s1 =	sadd.s32 $0x100, s1;
	[tilespmem:s0+$0x8430] =	vst v7;
	v5 =	vmul.f32 $8.000000000e+00, v4;
	v4 =	vld [tilespmem:s0+$0xC420]  }
0xcc: {  	[tilespmem:s0+$0xA400] =	vst v6;
	v1 =	vmul.f32 $8.000000000e+00, v1;
	v6 =	vld [tilespmem:s0+$0xC430]  }
0xcd: {  	[tilespmem:s0+$0xA410] =	vst v5;
	v0 =	vmul.f32 $8.000000000e+00, v0  }
0xce: {  	[tilespmem:s0+$0xA420] =	vst v1;
	v1 =	vmul.f32 $8.000000000e+00, v2  }
0xcf: {  	[tilespmem:s0+$0xA430] =	vst v0;
	v0 =	vmul.f32 $8.000000000e+00, v3  }
0xd0: {  	[tilespmem:s0+$0xC400] =	vst v1;
	v1 =	vmul.f32 $8.000000000e+00, v4  }
0xd1: {  	[tilespmem:s0+$0xC410] =	vst v0;
	v0 =	vmul.f32 $8.000000000e+00, v6  }
0xd2: {  	[tilespmem:s0+$0xC420] =	vst v1  }
0xd3: {  	s31 =	simm.s32 $0x0;
	[tilespmem:s0+$0xC430] =	vst v0  }
0xd4: {  	[hbm4b:s8+s31] =	stream.linear.scatter [tilespmem:s13], [sflag:$0x2], $0x8000, $0x38;
	[tilespmem:$0x16400] =	vst v63  }
0xd5: {  	_ =	swait.ge [sflag:s11], $0x8000  }
0xd6: {  	[sflag:s11] =	ssyncset.done $0x0  }
0xd7: {  	[sflag:s11] =	ssyncadd.s32 $0xFFFF8000  }
0xd8: {  	_ =	swait.ge [sflag:s23], $0x2000  }
0xd9: {  	[sflag:s23] =	ssyncset.done $0x0  }
0xda: {  	[sflag:s23] =	ssyncadd.s32 $0xFFFFE000  }
0xdb: {  	_ =	swait.ge [sflag:s23], $0x2000  }
0xdc: {  	[sflag:s23] =	ssyncset.done $0x0  }
0xdd: {  	[sflag:s23] =	ssyncadd.s32 $0xFFFFE000  }
0xde: {  	_ =	swait.ge [sflag:s23], $0x2000  }
0xdf: {  	[sflag:s23] =	ssyncset.done $0x0  }
0xe0: {  	[sflag:s23] =	ssyncadd.s32 $0xFFFFE000  }
0xe1: {  	_ =	swait.ge [sflag:s23], $0x2000  }
0xe2: {  	[sflag:s23] =	ssyncset.done $0x0  }
0xe3: {  	s0 =	simm.s32 $0x0;
	[sflag:s23] =	ssyncadd.s32 $0xFFFFE000  }
0xe4: {  	v0 =	vld [tilespmem:s0+$0xE400]  }
0xe5: {  	v1 =	vld [tilespmem:s0+$0xE410]  }
0xe6: {  	v2 =	vld [tilespmem:s0+$0xE420]  }
0xe7: {  	v3 =	vld [tilespmem:s0+$0xE430]  }
0xe8: {  	v4 =	vld [tilespmem:s0+$0x10400]  }
0xe9: {  	v5 =	vld [tilespmem:s0+$0x10410];
	v0 =	vmul.f32 $8.000000000e+00, v0  }
0xea: {  	v6 =	vld [tilespmem:s0+$0x10420];
	v1 =	vmul.f32 $8.000000000e+00, v1  }
0xeb: {  	v7 =	vld [tilespmem:s0+$0x10430];
	[tilespmem:s0+$0xE400] =	vst v0;
	v0 =	vmul.f32 $8.000000000e+00, v2  }
0xec: {  	v8 =	vld [tilespmem:s0+$0x12400];
	[tilespmem:s0+$0xE410] =	vst v1;
	v1 =	vmul.f32 $8.000000000e+00, v3  }
0xed: {  	v9 =	vld [tilespmem:s0+$0x12410];
	[tilespmem:s0+$0xE420] =	vst v0;
	v0 =	vmul.f32 $8.000000000e+00, v4  }
0xee: {  	v2 =	vmul.f32 $8.000000000e+00, v5;
	[tilespmem:s0+$0xE430] =	vst v1;
	v1 =	vld [tilespmem:s0+$0x12420]  }
0xef: {  	v3 =	vmul.f32 $8.000000000e+00, v6;
	[tilespmem:s0+$0x10400] =	vst v0;
	v0 =	vld [tilespmem:s0+$0x12430]  }
0xf0: {  	[tilespmem:s0+$0x10410] =	vst v2;
	v2 =	vld [tilespmem:s0+$0x14400];
	v4 =	vmul.f32 $8.000000000e+00, v7  }
0xf1: {  	v6 =	vmul.f32 $8.000000000e+00, v8;
	[tilespmem:s0+$0x10420] =	vst v3;
	v3 =	vld [tilespmem:s0+$0x14410]  }
0xf2: {  	s1 =	simm.s32 $0x100;
	v5 =	vmul.f32 $8.000000000e+00, v9;
	[tilespmem:s0+$0x10430] =	vst v4;
	v4 =	vld [tilespmem:s0+$0x14420]  }
.LBB2_10:
0xf3: {  	s15 =	sshra.s32 s1, $0x2;
	p0 =	sne.s32 s1, $0x7F00;
	[tilespmem:s0+$0x12400] =	vst v6;
	v1 =	vmul.f32 $8.000000000e+00, v1;
	v6 =	vld [tilespmem:s0+$0x14430]  }
0xf4: {  	v7 =	vld [tilespmem:s15+$0xE400];
	[tilespmem:s0+$0x12410] =	vst v5;
	v0 =	vmul.f32 $8.000000000e+00, v0  }
0xf5: {  	v5 =	vld [tilespmem:s15+$0xE410];
	[tilespmem:s0+$0x12420] =	vst v1;
	v1 =	vmul.f32 $8.000000000e+00, v2  }
0xf6: {  	v2 =	vld [tilespmem:s15+$0xE420];
	[tilespmem:s0+$0x12430] =	vst v0;
	v0 =	vmul.f32 $8.000000000e+00, v3  }
0xf7: {  	v3 =	vld [tilespmem:s15+$0xE430];
	[tilespmem:s0+$0x14400] =	vst v1;
	v1 =	vmul.f32 $8.000000000e+00, v4  }
0xf8: {  	v4 =	vld [tilespmem:s15+$0x10400];
	[tilespmem:s0+$0x14410] =	vst v0;
	v0 =	vmul.f32 $8.000000000e+00, v6  }
0xf9: {  	v6 =	vmul.f32 $8.000000000e+00, v7;
	v7 =	vld [tilespmem:s15+$0x10410];
	[tilespmem:s0+$0x14420] =	vst v1  }
0xfa: {  	v1 =	vmul.f32 $8.000000000e+00, v5;
	v5 =	vld [tilespmem:s15+$0x10420];
	[tilespmem:s0+$0x14430] =	vst v0;
	s0 =	smov.u32 s15  }
0xfb: {  	[tilespmem:s0+$0xE400] =	vst v6;
	v0 =	vmul.f32 $8.000000000e+00, v2;
	v2 =	vld [tilespmem:s0+$0x10430]  }
0xfc: {  	[tilespmem:s0+$0xE410] =	vst v1;
	v1 =	vmul.f32 $8.000000000e+00, v3;
	v3 =	vld [tilespmem:s0+$0x12400]  }
0xfd: {  	[tilespmem:s0+$0xE420] =	vst v0;
	v0 =	vmul.f32 $8.000000000e+00, v4;
	v4 =	vld [tilespmem:s0+$0x12410]  }
.Ltmp4:
0xfe: {  	[tilespmem:s0+$0xE430] =	vst v1;
	v6 =	vmul.f32 $8.000000000e+00, v7;
	v1 =	vld [tilespmem:s0+$0x12420];
	(pc) =	sbr.rel @p0 .LBB2_10-.Ltmp4, $4  }
0xff: {  	[tilespmem:s0+$0x10400] =	vst v0;
	v5 =	vmul.f32 $8.000000000e+00, v5;
	v0 =	vld [tilespmem:s0+$0x12430]  }
0x100: {  	[tilespmem:s0+$0x10410] =	vst v6;
	v7 =	vmul.f32 $8.000000000e+00, v2;
	v2 =	vld [tilespmem:s0+$0x14400]  }
0x101: {  	[tilespmem:s0+$0x10420] =	vst v5;
	v6 =	vmul.f32 $8.000000000e+00, v3;
	v3 =	vld [tilespmem:s0+$0x14410]  }
0x102: {  	s1 =	sadd.s32 $0x100, s1;
	[tilespmem:s0+$0x10430] =	vst v7;
	v5 =	vmul.f32 $8.000000000e+00, v4;
	v4 =	vld [tilespmem:s0+$0x14420]  }
0x103: {  	[tilespmem:s0+$0x12400] =	vst v6;
	v1 =	vmul.f32 $8.000000000e+00, v1;
	v59 =	vld [tilespmem:s0+$0x14430]  }
0x104: {  	[tilespmem:s0+$0x12410] =	vst v5;
	v0 =	vmul.f32 $8.000000000e+00, v0  }
0x105: {  	[tilespmem:s0+$0x12420] =	vst v1;
	v60 =	vmul.f32 $8.000000000e+00, v2  }
0x106: {  	[tilespmem:s0+$0x12430] =	vst v0;
	v61 =	vmul.f32 $8.000000000e+00, v3  }
0x107: {  	[tilespmem:s0+$0x14400] =	vst v60;
	v62 =	vmul.f32 $8.000000000e+00, v4  }
0x108: {  	s29 =	sadd.s32 $0x1, s29;
	[tilespmem:s0+$0x14410] =	vst v61;
	v63 =	vmul.f32 $8.000000000e+00, v59  }
0x109: {  	p0 =	sne.s32 s29, s10;
	[tilespmem:s0+$0x14420] =	vst v62  }
.Ltmp5:
0x10a: {  	[tilespmem:s0+$0x14430] =	vst v63;
	(pc) =	sbr.rel @p0 .LBB2_1-.Ltmp5, $4  }
0x10b: {  	[hbm4b:s9+s3] =	stream.linear.scatter [tilespmem:s19], [sflag:$0x2], $0x8000, $0x38;
	[tilespmem:$0x16400] =	vst v63  }
0x10c: {  	_ =	swait.ge [sflag:s11], $0x8000  }
0x10d: {  	[sflag:s11] =	ssyncset.done $0x0  }
0x10e: {  	[sflag:s11] =	ssyncadd.s32 $0xFFFF8000  }
0x10f: {  	_ =	sfence.sel $0x180000  }
0x110: {  	[bflag:$0x0] =	sbarrier.arrive $0xFFFF  }
0x111: {  	_ =	strace $0x90000047  }
0x112: {  	s0 =	stileid.u32;
	[bflag:$0x2] =	sbarrier.arrive $0xFFFF  }
0x113: {  	p0 =	sne.s32 s0, $0x0;
	s0 =	rddreg [dreg:$0x2]  }
0x114: {  	s0 =	sadd.s32 @!p0 $0x100000, s0  }
0x115: {  	[sflag:s0] =	ssyncadd.tile.s32 @!p0 $0x1;
	_ =	shalt  }
.Lfunc_end2:
_tile_overlayer_lowered:
.L_overlay_start_2:
0x116: {  	(tag) =	ssettag $0x2  }
0x117: {  	s0 =	rddreg [dreg:$0x0];
	s2 =	stileid.u32  }
0x118: {  	s1 =	rddreg [dreg:$0x1];
	p0 =	sne.s32 s2, $0x0  }
0x119: {  	s3 =	rddreg [dreg:$0x2];
	[bflag:$0x3] =	sbarrier.arrive $0xFFFF;
	s2 =	simm.s32 @!p0 $0x1C02  }
0x11a: {  	[timem:s3], [sflag:s2] =	dma.local @!p0 [hbm:s0], s1  }
0x11b: {  	s0 =	simm.s32 @!p0 $0x2  }
0x11c: {  	_ =	swait.ge @!p0 [sflag:s0], s1  }
0x11d: {  	s1 =	ssub.s32 @!p0 $0x0, s1;
	[sflag:s0] =	ssyncset.done @!p0 $0x0  }
0x11e: {  	[sflag:s0] =	ssyncadd.s32 @!p0 s1  }
0x11f: {  	[bflag:$0x3] =	sbarrier.arrive $0xFFFF  }
0x120: {  	_ =	shalt  }

// kernel: sparse-core-data-format-call.cloned.1.call-start
scs
called_computation_lowered:
.L_overlay_start_0:
0x0: {  	s2 =	sld [smem:$0x3FD9]  }
0x1: {  	s3 =	sld [smem:$0x3FFE];
	_ =	sdelay $0x1  }
0x2: {  	s1 =	srdreg.scid  }
0x3: {  	s0 =	sand.u32 $0x1, s1  }
0x4: {  	s18 =	sshll.u32 s0, $0xA;
	s2 =	sadd.s32 s3, s2  }
0x5: {  	s2 =	sadd.s32 s2, s18  }
0x6: {  	[smem:$0x3FC6] =	sst s2  }
0x7: {  	_ = 	snop  }
0x8: {  	s2 =	sld [smem:$0x3FD0];
	(tm) =	ssettm $0x1  }
0x9: {  	s19 =	sld [smem:$0x3FFB];
	_ =	sdelay $0x3  }
0xa: {  	_ =	strace s19  }
0xb: {  	s3 =	sld [smem:$0x3FFC];
	_ =	sdelay $0x3  }
0xc: {  	_ =	strace s3  }
0xd: {  	s3 =	sld [smem:$0x3FFD];
	_ =	sdelay $0x3  }
0xe: {  	_ =	strace s3  }
0xf: {  	_ =	strace $0x8FFFFFFF  }
0x10: {  	s20 =	sld [smem:$0x3FDB];
	_ =	sdelay $0x1  }
0x11: {  	s4 =	simm.s32 $_scs_section_size  }
0x12: {  	s5 =	simm.s32 $_size__tile_overlayer_lowered;
	s6 =	simm.s32 $_tile_overlayer_lowered  }
0x13: {  	s23 =	simm.s32 $0x1BFF;
	s22 =	sshll.u32 s6, $0x1;
	s3 =	sadd.s32 s4, s20  }
0x14: {  	s7 =	simm.s32 $0x0;
	s21 =	sshll.u32 s5, $0x1;
	s5 =	sadd.s32 s22, s3  }
0x15: {  	[timem:s7], [sflag:s23] =	dma.local [hbm:s5], s21  }
0x16: {  	_ =	swait.ge [sflag:s23], s21  }
0x17: {  	s4 =	ssub.s32 $0x0, s21;
	[sflag:s23] =	ssyncset.done $0x0  }
0x18: {  	[sflag:s23] =	ssyncadd.s32 s4;
	_ =	sdelay $0x1  }
0x19: {  	s24 =	simm.s32 $0x1B8B  }
0x1a: {  	_ =	swait.ge [sflag:s24], $0x1  }
0x1b: {  	[sflag:s24] =	ssyncset.done $0x0  }
0x1c: {  	s26 =	simm.s32 $0x1B8E;
	s25 =	sld [smem:$0x3FFE];
	[sflag:s24] =	ssyncadd.s32 $0xFFFFFFFF  }
0x1d: {  	s27 =	simm.s32 $execute0_lowered;
	[smem:$0x3FD2] =	sst s26  }
0x1e: {  	s5 =	sshll.u32 s27, $0x1;
	_ =	strace $0x80000049;
	[dreg:$0x1] =	wrdreg $0xFFFFFFFF  }
0x1f: {  	s28 =	simm.s32 $_size_execute0_lowered;
	s3 =	sadd.s32 s3, s5;
	[dreg:$0x0] =	wrdreg $0x0  }
0x20: {  	s5 =	sshll.u32 s28, $0x1;
	[dreg:$0x2] =	wrdreg s3  }
0x21: {  	[dreg:$0x3] =	wrdreg s5  }
0x22: {  	[dreg:$0x4] =	wrdreg $0xC0  }
0x23: {  	_ =	task [dreg:s7], $0x5FFFF  }
0x24: {  	[dreg:$0x1] =	wrdreg $0xFFFFFFFF  }
0x25: {  	[dreg:$0x0] =	wrdreg $0x60  }
0x26: {  	[dreg:$0x2] =	wrdreg s25  }
0x27: {  	[dreg:$0x3] =	wrdreg s2  }
0x28: {  	[dreg:$0x4] =	wrdreg $0x9  }
0x29: {  	_ =	task.clear_ibuf [dreg:s7], $0x5FFFF;
	_ =	strace $0x90000049  }
0x2a: {  	s29 =	simm.s32 $0x9;
	_ =	strace $0x8000004B  }
0x2b: {  	_ =	swait.ge [sflag:s29], $0x1  }
0x2c: {  	[sflag:s29] =	ssyncadd.s32 $0xFFFFFFFF  }
0x2d: {  	_ =	strace $0x9000004B  }
0x2e: {  	_ =	sfence  }
0x2f: {  	s30 =	sld [smem:$0x0];
	_ =	sdelay $0x2  }
0x30: {  	s31 =	sshll.u32 s1, $0xD;
	s1 =	sshrl.u32 s1, $0x2  }
0x31: {  	s3 =	sand.u32 $0x4000, s31;
	s1 =	sadd.s32 s1, s30  }
0x32: {  	s0 =	sor.u32 s3, s0;
	s1 =	sshll.u32 s1, $0x11  }
0x33: {  	s0 =	sor.u32 s1, s0  }
0x34: {  	s0 =	sadd.s32 $0x8F2B, s0  }
0x35: {  	[sflag:s0] =	ssyncadd.remote.s32 $0x1  }
0x36: {  	_ =	sfence.sel $0xFFFF  }
0x37: {  	[dreg:$0x0] =	wrdreg $0xFFFFFFFF;
	(pc) =	sbr.abs _section_cstart, $3  }
0x38: {  	[dreg:$0x1] =	wrdreg $0xFFFFFFFF  }
0x39: {  	_ =	task.clear_ibuf [dreg:s7], $0x2FFFF;
	_ =	strace $0x9FFFFFFF  }
0x3a: {  	(tm) =	ssettm $0x7FFFFFFF  }
0x3b: {  	_ =	shalt  }
tec
execute0_lowered:
.L_overlay_start_1:
0x0: {  	(tag) =	ssettag $0x1  }
0x1: {  	s0 =	srdreg.scid  }
0x2: {  	s1 =	sshll.u32 s0, $0x4  }
0x3: {  	s0 =	stileid.u32;
	s1 =	sand.u32 $0x10, s1  }
0x4: {  	s1 =	sor.u32 s0, s1  }
0x5: {  	s6 =	rddreg [dreg:$0x0];
	s4 =	simm.s32 $0x1;
	s2 =	sshll.u32 s1, $0x7  }
0x6: {  	s7 =	simm.s32 $0x2;
	s12 =	simm.s32 $0x0;
	s1 =	ssub.s32 $0x1000, s2  }
0x7: {  	s8 =	simm.s32 $0x8000;
	s13 =	simm.s32 $0x0;
	s3 =	sand.u32 $0xF80, s1  }
0x8: {  	s9 =	simm.s32 $0x0;
	s5 =	sshrl.u32 s1, $0xC;
	p0 =	sne.s32 s3, $0x0  }
.Ltmp0:
0x9: {  	s1 =	rddreg [dreg:$0x2];
	s4 =	simm.s32 @!p0 $0x0;
	(pc) =	sbr.rel .LBB1_1-.Ltmp0, $4  }
0xa: {  	s11 =	simm.s32 $0x0;
	s3 =	rddreg [dreg:$0x1];
	s5 =	sadd.s32 s4, s5  }
0xb: {  	_ =	strace $0x8000004A;
	s4 =	simm.s32 $0x1;
	s5 =	smul.u32 $0xC8, s5  }
0xc: {  	s6 =	sadd.s32 $0xA00, s6;
	s10 =	smov.u32 s2;
	[sflag:s4] =	ssyncpa.u1 $0x0  }
0xd: {  	p0 =	por $0x0, $0x0;
	[sflag:s7] =	ssyncpa.u1 $0x0;
	s7 =	sor.u32 $0x1, s5  }
.LBB1_4:
0xe: {  	s16 =	sshll.u32 s13, $0x3;
	s17 =	sand.u32 $0x78, s13  }
0xf: {  	s30 =	sand.u32 $0x7E00, s13;
	s12 =	sshll.u32 s12, $0xF;
	s16 =	sand.u32 $0xC00, s16  }
0x10: {  	[tilespmem:s15+$0x810 ss:$0x81] =	vst.msk $0xffff, v2;
	s31 =	sand.u32 $0x7, s13;
	s16 =	sor.u32 s17, s16;
	s17 =	sadd.s32 s3, s30  }
0x11: {  	[tilespmem:s15+$0x1020 ss:$0x81] =	vst.msk $0xffff, v0;
	s13 =	sshll.u32 s31, $0x12;
	s12 =	sadd.s32 s12, s17;
	s16 =	sshrl.u32 s16, $0x3  }
0x12: {  	[tilespmem:s15+$0x0 ss:$0x81] =	vst.msk $0xffff, v1;
	s13 =	sor.u32 $0x400, s13;
	s12 =	sadd.s32 s16, s12  }
0x13: {  	[hbm4b:s12+s13] =	stream.strided.scatter [tilespmem:s14], [sflag:$0x2], $0x2000, s8, s13, $0x20;
	[tilespmem:$0x8080] =	vst v63  }
.LBB1_5:
0x14: {  	s14 =	sadd.s32 $0x1, s9  }
0x15: {  	s12 =	sadd.s32 $0x1000, s10;
	s16 =	smov.u32 s10;
	p2 =	sgt.s32 s14, $0xC7  }
0x16: {  	s16 =	smov.u32 @p2 s12  }
0x17: {  	s14 =	simm.s32 @p2 $0x0;
	p2 =	sgt.s32 s16, $0xFFF  }
0x18: {  	s16 =	smov.u32 @p2 s2;
	p2 =	sne.s32 s11, s7  }
.Ltmp1:
0x19: {  	p1 =	slt.u32 s11, $0x2;
	(pc) =	sbr.rel @!p2 .LBB1_6-.Ltmp1, $4  }
0x1a: {  	s15 =	simm.s32 @!p1 $0x2  }
0x1b: {  	s13 =	smov.u32 s10;
	p0 =	por !p0, !p0;
	_ =	swait.ge @!p1 [sflag:s15], $0x2000  }
0x1c: {  	s12 =	smov.u32 s9;
	[sflag:s15] =	ssyncset.done @!p1 $0x0;
	s9 =	smov.u32 s14  }
0x1d: {  	s11 =	sadd.s32 $0x1, s11;
	[sflag:s15] =	ssyncadd.s32 @!p1 $0xFFFFE000;
	s10 =	smov.u32 s16  }
.LBB1_1:
0x1e: {  	p1 =	sge.u32 s11, s5  }
0x1f: {  	s14 =	sand.u32 @!p1 $0x1FFFFFF, s9  }
0x20: {  	s15 =	smulhi.u32 @!p1 $0x147AE15, s14;
	_ =	sdelay $0x1  }
0x21: {  	s15 =	smul.u32 @!p1 $0xC8, s15  }
0x22: {  	s16 =	sxor.u32 @!p1 $0xFFFFFFFF, s11;
	s17 =	smul.u32 @!p1 $0xC80, s10  }
0x23: {  	s31 =	sadd.s32 $0xFFFFFFFF, s11;
	s16 =	sshll.u32 @!p1 s16, $0xD;
	s14 =	ssub.s32 @!p1 s14, s15  }
0x24: {  	s15 =	sand.u32 @!p1 $0x2000, s16;
	s16 =	sadd.s32 @!p1 s6, s17;
	s14 =	sshll.u32 @!p1 s14, $0x4  }
0x25: {  	s17 =	simm.s32 @!p1 $0x6400;
	s14 =	sadd.s32 @!p1 s14, s16;
	s16 =	simm.s32 @!p1 $0x40  }
0x26: {  	[tilespmem:s15], [sflag:$0x1] =	stream.strided.gather @!p1 [hbm4b:s14+s16], $0x2000, s17, s16, $0x38;
	[tilespmem:$0x8080] =	vst v63  }
0x27: {  	p1 =	sge.u32 s31, s5  }
.Ltmp2:
0x28: {  	_ = 	snop;
	(pc) =	sbr.rel @p1 .LBB1_5-.Ltmp2, $1  }
0x29: {  	_ =	sdelay $0x3  }
0x2a: {  	s14 =	simm.s32 $0x1  }
0x2b: {  	_ =	swait.ge [sflag:s4], $0x2000;
	s14 =	simm.s32 @!p0 $0x0  }
0x2c: {  	[sflag:s4] =	ssyncset.done $0x0;
	s15 =	sshll.u32 s14, $0xD  }
0x2d: {  	[sflag:s4] =	ssyncadd.s32 $0xFFFFE000;
	s18 =	sor.u32 $0x20, s15  }
0x2e: {  	s14 =	smul.u32 $0x8100, s14;
	v3 =	vld [tilespmem:s18+$0x10]  }
0x2f: {  	s30 =	sand.u32 $0x1, s11;
	v2 =	vld [tilespmem:s18+$0xFFFFFFF0]  }
0x30: {  	s15 =	smul.u32 $0x8100, s30;
	s14 =	sshrl.u32 s14, $0x2;
	v0 =	vld [tilespmem:s18+$0x0]  }
0x31: {  	v1 =	vld [tilespmem:s18+$0xFFFFFFE0];
	s16 =	sor.u32 $0x4000, s14  }
0x32: {  	s31 =	sshrl.u32 s15, $0x2;
	s15 =	sadd.s32 $0x0, s16  }
0x33: {  	s17 =	simm.s32 $0x4;
	s18 =	sadd.s32 $0x40, s18;
	s14 =	sor.u32 $0x4000, s31;
	[tilespmem:s15+$0x1830 ss:$0x81] =	vst.msk $0xffff, v3  }
.LBB1_3:
0x34: {  	v3 =	vld [tilespmem:s18+$0x10];
	p1 =	sne.s32 s17, $0x1FC;
	[tilespmem:s15+$0x810 ss:$0x81] =	vst.msk $0xffff, v2;
	s19 =	smov.u32 s17;
	s17 =	sadd.s32 $0x4, s17  }
.Ltmp3:
0x35: {  	v2 =	vld [tilespmem:s18+$0xFFFFFFF0];
	[tilespmem:s15+$0x1020 ss:$0x81] =	vst.msk $0xffff, v0;
	(pc) =	sbr.rel @p1 .LBB1_3-.Ltmp3, $4  }
0x36: {  	v0 =	vld [tilespmem:s18+$0x0];
	[tilespmem:s15+$0x0 ss:$0x81] =	vst.msk $0xffff, v1  }
0x37: {  	s15 =	sshra.s32 s19, $0x2;
	v1 =	vld [tilespmem:s18+$0xFFFFFFE0]  }
0x38: {  	s15 =	sadd.s32 s15, s16  }
0x39: {  	s18 =	sadd.s32 $0x40, s18;
	[tilespmem:s15+$0x1830 ss:$0x81] =	vst.msk $0xffff, v3  }
.Ltmp4:
0x3a: {  	_ = 	snop;
	(pc) =	sbr.rel .LBB1_4-.Ltmp4, $1  }
0x3b: {  	_ =	sdelay $0x3  }
.LBB1_6:
0x3c: {  	_ =	sfence.sel $0x180000  }
0x3d: {  	s2 =	simm.s32 $0x1;
	[bflag:$0x0] =	sbarrier.arrive $0xFFFF  }
0x3e: {  	s31 =	simm.s32 $0x2;
	[sflag:s2] =	ssyncpa.u1 $0x1  }
0x3f: {  	[sflag:s31] =	ssyncpa.u1 $0x1  }
0x40: {  	p0 =	sne.s32 s0, $0x0;
	_ =	strace $0x9000004A  }
0x41: {  	s0 =	sadd.s32 @!p0 $0x100000, s1;
	[bflag:$0x2] =	sbarrier.arrive $0xFFFF  }
0x42: {  	[sflag:s0] =	ssyncadd.tile.s32 @!p0 $0x1;
	_ =	shalt  }
.Lfunc_end1:
_tile_overlayer_lowered:
.L_overlay_start_2:
0x43: {  	(tag) =	ssettag $0x2  }
0x44: {  	s0 =	rddreg [dreg:$0x0];
	s2 =	stileid.u32  }
0x45: {  	s1 =	rddreg [dreg:$0x1];
	p0 =	sne.s32 s2, $0x0  }
0x46: {  	s3 =	rddreg [dreg:$0x2];
	[bflag:$0x3] =	sbarrier.arrive $0xFFFF;
	s2 =	simm.s32 @!p0 $0x1C01  }
0x47: {  	[timem:s3], [sflag:s2] =	dma.local @!p0 [hbm:s0], s1  }
0x48: {  	s0 =	simm.s32 @!p0 $0x1  }
0x49: {  	_ =	swait.ge @!p0 [sflag:s0], s1  }
0x4a: {  	s1 =	ssub.s32 @!p0 $0x0, s1;
	[sflag:s0] =	ssyncset.done @!p0 $0x0  }
0x4b: {  	[sflag:s0] =	ssyncadd.s32 @!p0 s1  }
0x4c: {  	[bflag:$0x3] =	sbarrier.arrive $0xFFFF  }
0x4d: {  	_ =	shalt  }

</sc_bundles>
